<compile_context>
chip_gen: v7x
topology: tpu7x:2x2x1
jax: 0.10.2.dev20260603
libtpu: 0.0.44.dev20260713+nightly
codegen_flags: <defaults>
</compile_context>

<pallas_src>
import functools

import jax
import jax.numpy as jnp
from jax import lax
from jax.experimental import pallas as pl
from jax.experimental.pallas import tpu as pltpu
from jax.experimental.pallas import tpu_sc as plsc

N = 10000
E = 320000
D = 128
DE = 16
H = 4
F = 32
HF = H * F
RW = HF + 16
NEG = 0.2

NC = 2
NS = 16
NW = NC * NS
EW = E // NW
SB = 80
CPT = EW // SB
SC_CH = 4000
NCH = E // SC_CH
MB = 64
AROWS = 320

_mesh = plsc.VectorSubcoreMesh(core_axis_name="c", subcore_axis_name="s")
_sc_params = pltpu.CompilerParams(needs_layout_passes=False,
                                  use_tc_tiling_on_sc=False)



def _proj_body(x_ref, ws_ref, wa_ref, f_ref, as_ref, ad_ref):
    x = x_ref[...]
    f_ref[...] = jnp.dot(x, ws_ref[...], preferred_element_type=jnp.float32)
    an = jnp.dot(x, wa_ref[...], preferred_element_type=jnp.float32)
    z = jnp.zeros((x.shape[0], 16 - H), jnp.float32)
    as_ref[...] = jnp.concatenate([an[:, :H], z], axis=1)
    ad_ref[...] = jnp.concatenate([an[:, H:], z], axis=1)


def _edge_proj_body(xe_ref, we_ref, ae_ref):
    ae = jnp.dot(xe_ref[...], we_ref[...],
                 preferred_element_type=jnp.float32)
    z = jnp.zeros((ae.shape[0], 16 - H), jnp.float32)
    ae_ref[...] = jnp.concatenate([ae, z], axis=1)


def _rdenom_body(d_ref, r_ref):
    r_ref[...] = 1.0 / jnp.maximum(d_ref[...], 1e-9)


def _combine_body(x_ref, wd_ref, b_ref, p_ref, rde_ref, o_ref):
    fd = jnp.dot(x_ref[...], wd_ref[...], preferred_element_type=jnp.float32)
    o_ref[...] = fd + b_ref[...] + p_ref[...] * rde_ref[...]



@functools.partial(
    pl.kernel,
    out_type=tuple(jax.ShapeDtypeStruct((E,), jnp.float32) for _ in range(H)),
    mesh=_mesh,
    scratch_types=(
        [pltpu.VMEM((N * 2 * H,), jnp.float32)]
        + [pltpu.VMEM((SB,), jnp.int32)]
        + [pltpu.VMEM((SB,), jnp.int32)]
        + [pltpu.VMEM((SB * H,), jnp.float32)]
        + [pltpu.VMEM((H * SB,), jnp.float32)]
        + [pltpu.SemaphoreType.DMA, pltpu.SemaphoreType.DMA]
    ),
    compiler_params=_sc_params,
)
def _sc_logits(src_hbm, dst_hbm, ae_hbm, an_hbm, *refs):
    num_hbm = refs[:H]
    a_tbl, sidx, didx, ae_buf, numf, sem_in, sem_out = refs[H:]

    cid = lax.axis_index("c")
    sid = lax.axis_index("s")
    wid = sid * NC + cid

    pltpu.sync_copy(an_hbm, a_tbl)
    lane = lax.iota(jnp.int32, 16)
    base0 = wid * EW

    def chunk_body(k, carry):
        base = base0 + k * SB
        descs = [
            pltpu.async_copy(src_hbm.at[pl.ds(base, SB)], sidx, sem_in),
            pltpu.async_copy(dst_hbm.at[pl.ds(base, SB)], didx, sem_in),
            pltpu.async_copy(ae_hbm.at[pl.ds(base * H, SB * H)],
                             ae_buf, sem_in),
        ]
        for dsc in descs:
            dsc.wait()

        def group_body(g, c2):
            off = g * 16
            s16 = sidx[pl.ds(off, 16)]
            d16 = didx[pl.ds(off, 16)]
            ig16 = (off + lane) * H
            for h in range(H):
                asrc = plsc.load_gather(a_tbl, [s16 * (2 * H) + h])
                adst = plsc.load_gather(a_tbl, [d16 * (2 * H) + (H + h)])
                ae = plsc.load_gather(ae_buf, [ig16 + h])
                e = asrc + adst + ae
                e = jnp.where(e > 0, e, NEG * e)
                numf[pl.ds(h * SB + off, 16)] = jnp.exp(e)
            return c2

        lax.fori_loop(0, SB // 16, group_body, 0)
        odescs = [pltpu.async_copy(
            numf.at[pl.ds(h * SB, SB)],
            num_hbm[h].at[pl.ds(base, SB)], sem_out) for h in range(H)]
        for dsc in odescs:
            dsc.wait()
        return carry

    lax.fori_loop(0, CPT, chunk_body, 0)



@functools.partial(
    pl.kernel,
    out_type=(jax.ShapeDtypeStruct((E, HF), jnp.float32),
              jax.ShapeDtypeStruct((E, 16), jnp.float32)),
    mesh=_mesh,
    scratch_types=(
        [pltpu.VMEM((SB,), jnp.int32)]
        + [pltpu.VMEM((H * SB + 16,), jnp.float32)]
        + [pltpu.VMEM((SB, HF), jnp.float32)]
        + [pltpu.VMEM((SB, 16), jnp.float32)]
        + [pltpu.SemaphoreType.DMA, pltpu.SemaphoreType.DMA]
    ),
    compiler_params=_sc_params,
)
def _sc_msgs(src_hbm, num0, num1, num2, num3, feat_hbm, m_hbm, md_hbm, *refs):
    num_hbm = (num0, num1, num2, num3)
    sidx, numf, rows, rows_d, sem_in, sem_g = refs

    cid = lax.axis_index("c")
    sid = lax.axis_index("s")
    wid = sid * NC + cid

    numf[pl.ds(H * SB, 16)] = jnp.zeros((16,), jnp.float32)
    lane = lax.iota(jnp.int32, 16)
    zpad = jnp.where(lane < H, lane * SB, H * SB)
    base0 = wid * EW

    def chunk_body(k, carry):
        base = base0 + k * SB
        descs = [pltpu.async_copy(num_hbm[h].at[pl.ds(base, SB)],
                                  numf.at[pl.ds(h * SB, SB)], sem_in)
                 for h in range(H)]
        descs.append(pltpu.async_copy(src_hbm.at[pl.ds(base, SB)],
                                      sidx, sem_in))
        for dsc in descs:
            dsc.wait()
        pltpu.async_copy(feat_hbm.at[sidx], rows, sem_g).wait()

        def scale_body(r, c3):
            rv = jnp.full((16,), r, jnp.int32)
            avs = [plsc.load_gather(numf, [rv + h * SB]) for h in range(H)]
            av_t = plsc.load_gather(numf, [zpad + jnp.where(lane < H, r, 0)])
            rows_d[r, :] = av_t
            for q in range(HF // 16):
                seg = rows[r, pl.ds(q * 16, 16)]
                rows[r, pl.ds(q * 16, 16)] = seg * avs[q // 2]
            return c3

        lax.fori_loop(0, SB, scale_body, 0)
        pltpu.sync_copy(rows, m_hbm.at[pl.ds(base, SB)])
        pltpu.sync_copy(rows_d, md_hbm.at[pl.ds(base, SB)])
        return carry

    lax.fori_loop(0, CPT, chunk_body, 0)



@functools.partial(
    pl.kernel,
    out_type=(jax.ShapeDtypeStruct((N, HF), jnp.float32),
              jax.ShapeDtypeStruct((N, 16), jnp.float32)),
    mesh=_mesh,
    scratch_types=(
        [pltpu.VMEM((AROWS, HF), jnp.float32)]
        + [pltpu.VMEM((AROWS, 16), jnp.float32)]
        + [pltpu.VMEM((SC_CH,), jnp.int32)]
        + [pltpu.VMEM((SC_CH,), jnp.int32)]
        + [pltpu.VMEM((SC_CH + MB,), jnp.int32)]
        + [pltpu.VMEM((MB,), jnp.int32)]
        + [pltpu.VMEM((MB,), jnp.int32)]
        + [pltpu.VMEM((MB, 16), jnp.float32)]
        + [pltpu.VMEM((MB, 16), jnp.float32)]
        + [pltpu.VMEM((MB, 16), jnp.float32)]
        + [pltpu.VMEM((MB, HF), jnp.float32)]
        + [pltpu.VMEM((MB * 16,), jnp.float32)]
        + [pltpu.VMEM((MB + 16,), jnp.int32)]
        + [pltpu.SemaphoreType.DMA, pltpu.SemaphoreType.DMA]
    ),
    compiler_params=_sc_params,
)
def _sc_reduce(dst_hbm, src_hbm, as_hbm, ad_hbm, ae_hbm, feat_hbm,
               x_hbm, xd_hbm, *refs):
    (acc, accd, dstc, srcc, midb, sidxb, didxb, asb, adb, aeb,
     mrows, nmb, dlocb, sem_in, sem_g) = refs

    cid = lax.axis_index("c")
    sid = lax.axis_index("s")
    wid = sid * NC + cid

    lo = 312 * wid + 8 * jnp.minimum(wid, 2)
    mine = jnp.where(wid < 2, 320, 312)
    hi = lo + mine

    zed = jnp.zeros((16,), jnp.float32)

    def zacc_body(r, c):
        for q in range(HF // 16):
            acc[r, pl.ds(q * 16, 16)] = zed
        accd[r, :] = zed
        return c

    lax.fori_loop(0, AROWS, zacc_body, 0)

    def zmid_body(g, c):
        midb[pl.ds(g * 16, 16)] = jnp.zeros((16,), jnp.int32)
        return c

    lax.fori_loop(0, (SC_CH + MB) // 16, zmid_body, 0)

    lane = lax.iota(jnp.int32, 16)

    def chunk_body(kc, carry):
        base_e = kc * SC_CH
        pltpu.sync_copy(dst_hbm.at[pl.ds(base_e, SC_CH)], dstc)
        pltpu.sync_copy(src_hbm.at[pl.ds(base_e, SC_CH)], srcc)

        def scan_body(g, mcnt):
            off = g * 16
            d16 = dstc[pl.ds(off, 16)]
            mask = (d16 >= lo) & (d16 < hi)
            plsc.store_compressed(midb.at[pl.ds(mcnt, 16)],
                                  base_e + off + lane, mask=mask)
            return mcnt + jnp.sum(mask.astype(jnp.int32))

        mcnt = lax.fori_loop(0, SC_CH // 16, scan_body, 0)

        def batch_body(b, c2):
            boff = b * MB
            for g in range(MB // 16):
                mid16 = midb[pl.ds(boff + g * 16, 16)]
                loc16 = jnp.clip(mid16 - base_e, 0, SC_CH - 1)
                s16 = plsc.load_gather(srcc, [loc16])
                d16 = plsc.load_gather(dstc, [loc16])
                sidxb[pl.ds(g * 16, 16)] = s16
                didxb[pl.ds(g * 16, 16)] = d16
                dlocb[pl.ds(g * 16, 16)] = d16 - lo
            descs = [
                pltpu.async_copy(ae_hbm.at[midb.at[pl.ds(boff, MB)]],
                                 aeb, sem_g),
                pltpu.async_copy(as_hbm.at[sidxb], asb, sem_g),
                pltpu.async_copy(ad_hbm.at[didxb], adb, sem_g),
                pltpu.async_copy(feat_hbm.at[sidxb], mrows, sem_g),
            ]
            for dsc in descs:
                dsc.wait()
            nrows = jnp.minimum(mcnt - boff, MB)

            def row_body(r, c3):
                e4 = asb[r, :] + adb[r, :] + aeb[r, :]
                e4 = jnp.where(e4 > 0, e4, NEG * e4)
                nm = jnp.where(lane < H, jnp.exp(e4), 0.0)
                nmb[pl.ds(r * 16, 16)] = nm
                dloc = dlocb[pl.ds(r, 16)][0]
                accd[dloc, :] = accd[dloc, :] + nm
                for q in range(HF // 16):
                    avq = plsc.load_gather(
                        nmb, [jnp.full((16,), r * 16 + q // 2, jnp.int32)])
                    seg = acc[dloc, pl.ds(q * 16, 16)]
                    acc[dloc, pl.ds(q * 16, 16)] = (
                        seg + mrows[r, pl.ds(q * 16, 16)] * avq)
                return c3

            lax.fori_loop(0, nrows, row_body, 0)
            return c2

        lax.fori_loop(0, (mcnt + MB - 1) // MB, batch_body, 0)
        return carry

    lax.fori_loop(0, NCH, chunk_body, 0)

    pltpu.sync_copy(acc.at[pl.ds(0, 312)], x_hbm.at[pl.ds(lo, 312)])
    pltpu.sync_copy(accd.at[pl.ds(0, 312)], xd_hbm.at[pl.ds(lo, 312)])

    @pl.when(wid < 2)
    def _():
        pltpu.sync_copy(acc.at[pl.ds(312, 8)], x_hbm.at[pl.ds(lo + 312, 8)])
        pltpu.sync_copy(accd.at[pl.ds(312, 8)], xd_hbm.at[pl.ds(lo + 312, 8)])



def kernel(node_inputs, edge_index, edge_inputs, W_src, W_dst, b_dst,
           W_attn_src, W_attn_dst, W_attn_edge):
    src = edge_index[0].astype(jnp.int32)
    dst = edge_index[1].astype(jnp.int32)
    wa = jnp.concatenate([W_attn_src, W_attn_dst], axis=1)

    BN = 1000
    feat_src, an_src, an_dst = pl.pallas_call(
        _proj_body,
        grid=(N // BN,),
        in_specs=[
            pl.BlockSpec((BN, D), lambda i: (i, 0)),
            pl.BlockSpec((D, HF), lambda i: (0, 0)),
            pl.BlockSpec((D, 2 * H), lambda i: (0, 0)),
        ],
        out_specs=[
            pl.BlockSpec((BN, HF), lambda i: (i, 0)),
            pl.BlockSpec((BN, 16), lambda i: (i, 0)),
            pl.BlockSpec((BN, 16), lambda i: (i, 0)),
        ],
        out_shape=[
            jax.ShapeDtypeStruct((N, HF), jnp.float32),
            jax.ShapeDtypeStruct((N, 16), jnp.float32),
            jax.ShapeDtypeStruct((N, 16), jnp.float32),
        ],
    )(node_inputs, W_src, wa)

    BE = 4000
    ae16 = pl.pallas_call(
        _edge_proj_body,
        grid=(E // BE,),
        in_specs=[
            pl.BlockSpec((BE, DE), lambda i: (i, 0)),
            pl.BlockSpec((DE, H), lambda i: (0, 0)),
        ],
        out_specs=pl.BlockSpec((BE, 16), lambda i: (i, 0)),
        out_shape=jax.ShapeDtypeStruct((E, 16), jnp.float32),
    )(edge_inputs, W_attn_edge)

    xagg, xagg_d = _sc_reduce(dst, src, an_src, an_dst, ae16, feat_src)

    BD = 2000
    rdenom = pl.pallas_call(
        _rdenom_body,
        grid=(N // BD,),
        in_specs=[pl.BlockSpec((BD, H), lambda i: (i, 0))],
        out_specs=pl.BlockSpec((BD, H), lambda i: (i, 0)),
        out_shape=jax.ShapeDtypeStruct((N, H), jnp.float32),
    )(xagg_d[:, :H])

    rde = jnp.repeat(rdenom, F, axis=1)
    out = pl.pallas_call(
        _combine_body,
        grid=(N // BN,),
        in_specs=[
            pl.BlockSpec((BN, D), lambda i: (i, 0)),
            pl.BlockSpec((D, HF), lambda i: (0, 0)),
            pl.BlockSpec((1, HF), lambda i: (0, 0)),
            pl.BlockSpec((BN, HF), lambda i: (i, 0)),
            pl.BlockSpec((BN, HF), lambda i: (i, 0)),
        ],
        out_specs=pl.BlockSpec((BN, HF), lambda i: (i, 0)),
        out_shape=jax.ShapeDtypeStruct((N, HF), jnp.float32),
    )(node_inputs, W_dst, b_dst.reshape(1, HF), xagg, rde)

    return out.reshape(N, H, F)

# --- scband reference (transcript-rebuilt; emitter-appended) ---
"""Pipeline reference for scband-gatconv-34617436406126 (READ-ONLY COPY).

The authoritative reference and input builder live on the scoring server;
editing this copy changes nothing except your own understanding.
"""

import jax, jax.numpy as jnp
import numpy as np

N = 10000
E = 320000
D = 128
DE = 16
H = 4
F = 32
NEG_SLOPE = 0.2


def setup_inputs(seed: int = 0) -> dict:
    key = jax.random.key(seed)
    ks = jax.random.split(key, 10)
    node_inputs = jax.random.normal(ks[0], (N, D), dtype=jnp.float32)
    edge_index = jax.random.randint(ks[1], (2, E), 0, N, dtype=jnp.int32).astype(jnp.int64)
    edge_inputs = jax.random.normal(ks[2], (E, DE), dtype=jnp.float32)
    s_node = 1.0 / np.sqrt(D)
    s_edge = 1.0 / np.sqrt(DE)
    W_src = jax.random.normal(ks[3], (D, H * F), dtype=jnp.float32) * s_node
    W_dst = jax.random.normal(ks[4], (D, H * F), dtype=jnp.float32) * s_node
    b_dst = jnp.zeros((H * F,), dtype=jnp.float32)
    W_attn_src = jax.random.normal(ks[5], (D, H), dtype=jnp.float32) * s_node
    W_attn_dst = jax.random.normal(ks[6], (D, H), dtype=jnp.float32) * s_node
    W_attn_edge = jax.random.normal(ks[7], (DE, H), dtype=jnp.float32) * s_edge
    return {
        "node_inputs": node_inputs,
        "edge_index": edge_index,
        "edge_inputs": edge_inputs,
        "W_src": W_src,
        "W_dst": W_dst,
        "b_dst": b_dst,
        "W_attn_src": W_attn_src,
        "W_attn_dst": W_attn_dst,
        "W_attn_edge": W_attn_edge,
    }


def reference(node_inputs, edge_index, edge_inputs, W_src, W_dst, b_dst,
              W_attn_src, W_attn_dst, W_attn_edge):
    src = edge_index[0]
    dst = edge_index[1]
    # linear projections (residual=True -> fc_dst present; use_attn_dst=True)
    feat_fc_src = (node_inputs @ W_src).reshape(-1, H, F)
    feat_fc_dst = (node_inputs @ W_dst + b_dst).reshape(-1, H, F)
    attn_src = (node_inputs @ W_attn_src).reshape(-1, H, 1)
    attn_dst = (node_inputs @ W_attn_dst).reshape(-1, H, 1)
    attn_edge = (edge_inputs @ W_attn_edge).reshape(-1, H, 1)
    # per-edge attention logit: u_add_v + edge term
    e = attn_src[src] + attn_dst[dst] + attn_edge
    # leaky relu, negative_slope=0.2
    e = jnp.where(e > 0, e, NEG_SLOPE * e)
    # edge_softmax over incoming edges of each dst node
    emax = jax.ops.segment_max(e, dst, num_segments=N)
    emax = jnp.where(jnp.isfinite(emax), emax, 0.0)
    ex = jnp.exp(e - emax[dst])
    denom = jax.ops.segment_sum(ex, dst, num_segments=N)
    attn = ex / jnp.maximum(denom[dst], 1e-9)
    # attn_dropout p=0 -> identity; edge_dropout=0 -> identity
    # message passing: u_mul_e then sum over dst
    m = feat_fc_src[src] * attn
    x = jax.ops.segment_sum(m, dst, num_segments=N)
    # residual
    x = x + feat_fc_dst
    # activation is None
    return x

if __name__ == "__main__":
    import jax
    _d = setup_inputs()
    print(jax.jit(kernel)(*tuple(_d.values())))

</pallas_src>

<mosaic_0001>
#map = affine_map<(d0, d1) -> (0)>
#map1 = affine_map<(d0, d1) -> (0, 0)>
module attributes {stable_mosaic.version = 14 : i64} {
  func.func @_sc_reduce(%arg0: i32, %arg1: i32, %arg2: memref<320000xi32, #tpu.memory_space<hbm>>, %arg3: memref<320000xi32, #tpu.memory_space<hbm>>, %arg4: memref<10000x16xf32, #tpu.memory_space<hbm>>, %arg5: memref<10000x16xf32, #tpu.memory_space<hbm>>, %arg6: memref<320000x16xf32, #tpu.memory_space<hbm>>, %arg7: memref<10000x128xf32, #tpu.memory_space<hbm>>, %arg8: memref<10000x128xf32, #tpu.memory_space<hbm>>, %arg9: memref<10000x16xf32, #tpu.memory_space<hbm>>, %arg10: memref<320x128xf32, #tpu.memory_space<vmem>>, %arg11: memref<320x16xf32, #tpu.memory_space<vmem>>, %arg12: memref<4000xi32, #tpu.memory_space<vmem>>, %arg13: memref<4000xi32, #tpu.memory_space<vmem>>, %arg14: memref<4064xi32, #tpu.memory_space<vmem>>, %arg15: memref<64xi32, #tpu.memory_space<vmem>>, %arg16: memref<64xi32, #tpu.memory_space<vmem>>, %arg17: memref<64x16xf32, #tpu.memory_space<vmem>>, %arg18: memref<64x16xf32, #tpu.memory_space<vmem>>, %arg19: memref<64x16xf32, #tpu.memory_space<vmem>>, %arg20: memref<64x128xf32, #tpu.memory_space<vmem>>, %arg21: memref<1024xf32, #tpu.memory_space<vmem>>, %arg22: memref<80xi32, #tpu.memory_space<vmem>>, %arg23: memref<!tpu.dma_semaphore, #tpu.memory_space<semaphore_mem>>, %arg24: memref<!tpu.dma_semaphore, #tpu.memory_space<semaphore_mem>>) attributes {dimension_semantics = [#tpu.dimension_semantics<core_parallel>, #tpu.dimension_semantics<subcore_parallel>], iteration_bounds = array<i64: 2, 16>, scalar_prefetch = 0 : i64, scratch_operands = 15 : i64, tpu.core_type = #tpu.core_type<sc_vector_subcore>, window_params = [{transform_indices = #map}, {transform_indices = #map}, {transform_indices = #map1}, {transform_indices = #map1}, {transform_indices = #map1}, {transform_indices = #map1}, {transform_indices = #map1}, {transform_indices = #map1}]} {
    %mul3A = arith.constant 2 : i32
    %mul3A_0 = arith.muli %arg1, %mul3A : i32
    %add3A = arith.addi %mul3A_0, %arg0 : i32
    %mul3A_1 = arith.constant 312 : i32
    %mul3A_2 = arith.muli %mul3A_1, %add3A : i32
    %min3A = arith.constant 2 : i32
    %min3A_3 = arith.minsi %add3A, %min3A : i32
    %mul3A_4 = arith.constant 8 : i32
    %mul3A_5 = arith.muli %mul3A_4, %min3A_3 : i32
    %add3A_6 = arith.addi %mul3A_2, %mul3A_5 : i32
    %lt3A = arith.constant 2 : i32
    %lt3A_7 = arith.cmpi slt, %add3A, %lt3A : i32
    %jit3A = arith.constant 320 : i32
    %jit3A_8 = arith.constant 312 : i32
    %select_n3A = arith.select %lt3A_7, %jit3A, %jit3A_8 : i32
    %add3A_9 = arith.addi %add3A_6, %select_n3A : i32
    %broadcast_in_dim3A = arith.constant 0.000000e+00 : f32
    %broadcast_in_dim3A_10 = vector.broadcast %broadcast_in_dim3A : f32 to vector<16xf32>
    %scan3A = arith.constant 0 : i32
    %scan3A_11 = arith.constant 0 : i32
    %scan3A_12 = arith.constant 320 : i32
    %scan3A_13 = arith.addi %scan3A_11, %scan3A_12 : i32
    %scan3A_14 = arith.constant 1 : i32
    scf.for %scan3A_31 = %scan3A_11 to %scan3A_13 step %scan3A_14  : i32 {
      %swap3A = arith.index_cast %scan3A_31 : i32 to index
      %swap3A_32 = arith.constant 0 : index
      %swap3A_33 = tpu.vector_load %arg10[%swap3A, %swap3A_32] {strides = array<i32>} : memref<320x128xf32, #tpu.memory_space<vmem>>, vector<16xf32>,
      tpu.vector_store %arg10[%swap3A, %swap3A_32], %broadcast_in_dim3A_10 {strides = array<i32>} : memref<320x128xf32, #tpu.memory_space<vmem>>, vector<16xf32>,
      %swap3A_34 = arith.index_cast %scan3A_31 : i32 to index
      %swap3A_35 = arith.constant 16 : index
      %swap3A_36 = tpu.vector_load %arg10[%swap3A_34, %swap3A_35] {strides = array<i32>} : memref<320x128xf32, #tpu.memory_space<vmem>>, vector<16xf32>,
      tpu.vector_store %arg10[%swap3A_34, %swap3A_35], %broadcast_in_dim3A_10 {strides = array<i32>} : memref<320x128xf32, #tpu.memory_space<vmem>>, vector<16xf32>,
      %swap3A_37 = arith.index_cast %scan3A_31 : i32 to index
      %swap3A_38 = arith.constant 32 : index
      %swap3A_39 = tpu.vector_load %arg10[%swap3A_37, %swap3A_38] {strides = array<i32>} : memref<320x128xf32, #tpu.memory_space<vmem>>, vector<16xf32>,
      tpu.vector_store %arg10[%swap3A_37, %swap3A_38], %broadcast_in_dim3A_10 {strides = array<i32>} : memref<320x128xf32, #tpu.memory_space<vmem>>, vector<16xf32>,
      %swap3A_40 = arith.index_cast %scan3A_31 : i32 to index
      %swap3A_41 = arith.constant 48 : index
      %swap3A_42 = tpu.vector_load %arg10[%swap3A_40, %swap3A_41] {strides = array<i32>} : memref<320x128xf32, #tpu.memory_space<vmem>>, vector<16xf32>,
      tpu.vector_store %arg10[%swap3A_40, %swap3A_41], %broadcast_in_dim3A_10 {strides = array<i32>} : memref<320x128xf32, #tpu.memory_space<vmem>>, vector<16xf32>,
      %swap3A_43 = arith.index_cast %scan3A_31 : i32 to index
      %swap3A_44 = arith.constant 64 : index
      %swap3A_45 = tpu.vector_load %arg10[%swap3A_43, %swap3A_44] {strides = array<i32>} : memref<320x128xf32, #tpu.memory_space<vmem>>, vector<16xf32>,
      tpu.vector_store %arg10[%swap3A_43, %swap3A_44], %broadcast_in_dim3A_10 {strides = array<i32>} : memref<320x128xf32, #tpu.memory_space<vmem>>, vector<16xf32>,
      %swap3A_46 = arith.index_cast %scan3A_31 : i32 to index
      %swap3A_47 = arith.constant 80 : index
      %swap3A_48 = tpu.vector_load %arg10[%swap3A_46, %swap3A_47] {strides = array<i32>} : memref<320x128xf32, #tpu.memory_space<vmem>>, vector<16xf32>,
      tpu.vector_store %arg10[%swap3A_46, %swap3A_47], %broadcast_in_dim3A_10 {strides = array<i32>} : memref<320x128xf32, #tpu.memory_space<vmem>>, vector<16xf32>,
      %swap3A_49 = arith.index_cast %scan3A_31 : i32 to index
      %swap3A_50 = arith.constant 96 : index
      %swap3A_51 = tpu.vector_load %arg10[%swap3A_49, %swap3A_50] {strides = array<i32>} : memref<320x128xf32, #tpu.memory_space<vmem>>, vector<16xf32>,
      tpu.vector_store %arg10[%swap3A_49, %swap3A_50], %broadcast_in_dim3A_10 {strides = array<i32>} : memref<320x128xf32, #tpu.memory_space<vmem>>, vector<16xf32>,
      %swap3A_52 = arith.index_cast %scan3A_31 : i32 to index
      %swap3A_53 = arith.constant 112 : index
      %swap3A_54 = tpu.vector_load %arg10[%swap3A_52, %swap3A_53] {strides = array<i32>} : memref<320x128xf32, #tpu.memory_space<vmem>>, vector<16xf32>,
      tpu.vector_store %arg10[%swap3A_52, %swap3A_53], %broadcast_in_dim3A_10 {strides = array<i32>} : memref<320x128xf32, #tpu.memory_space<vmem>>, vector<16xf32>,
      %swap3A_55 = arith.index_cast %scan3A_31 : i32 to index
      %swap3A_56 = arith.constant 0 : index
      %swap3A_57 = tpu.vector_load %arg11[%swap3A_55, %swap3A_56] {strides = array<i32>} : memref<320x16xf32, #tpu.memory_space<vmem>>, vector<16xf32>,
      tpu.vector_store %arg11[%swap3A_55, %swap3A_56], %broadcast_in_dim3A_10 {strides = array<i32>} : memref<320x16xf32, #tpu.memory_space<vmem>>, vector<16xf32>,
    }
    %scan3A_15 = arith.constant 320 : i32
    %scan3A_16 = arith.constant 0 : i32
    %scan3A_17 = arith.constant 0 : i32
    %scan3A_18 = arith.constant 254 : i32
    %scan3A_19 = arith.addi %scan3A_17, %scan3A_18 : i32
    %scan3A_20 = arith.constant 1 : i32
    scf.for %scan3A_31 = %scan3A_17 to %scan3A_19 step %scan3A_20  : i32 {
      %broadcast_in_dim3A_32 = arith.constant 0 : i32
      %broadcast_in_dim3A_33 = vector.broadcast %broadcast_in_dim3A_32 : i32 to vector<16xi32>
      %mul3A_34 = arith.constant 16 : i32
      %mul3A_35 = arith.muli %scan3A_31, %mul3A_34 : i32
      %swap3A = arith.index_cast %mul3A_35 : i32 to index
      %swap3A_36 = tpu.vector_load %arg14[%swap3A] {strides = array<i32>} : memref<4064xi32, #tpu.memory_space<vmem>>, vector<16xi32>,
      tpu.vector_store %arg14[%swap3A], %broadcast_in_dim3A_33 {strides = array<i32>} : memref<4064xi32, #tpu.memory_space<vmem>>, vector<16xi32>,
    }
    %scan3A_21 = arith.constant 254 : i32
    %iota3A = tpu.iota {dimensions = array<i32: 0>} : vector<16xi32>
    %scan3A_22 = arith.constant 0 : i32
    %scan3A_23 = arith.constant 0 : i32
    %scan3A_24 = arith.constant 80 : i32
    %scan3A_25 = arith.addi %scan3A_23, %scan3A_24 : i32
    %scan3A_26 = arith.constant 1 : i32
    scf.for %scan3A_31 = %scan3A_23 to %scan3A_25 step %scan3A_26  : i32 {
      %mul3A_32 = arith.constant 4000 : i32
      %mul3A_33 = arith.muli %scan3A_31, %mul3A_32 : i32
      "tpu.region"() ({
        %run_scoped3A = tpu.sem_alloc : memref<!tpu.dma_semaphore, #tpu.memory_space<semaphore_mem>>
        %dma_start3A = tpu.memref_slice %arg2[%mul3A_33] : memref<320000xi32, #tpu.memory_space<hbm>> -> memref<4000xi32, #tpu.memory_space<hbm>>
        %dma_start3A_72 = tpu.memref_slice %arg2[%mul3A_33] : memref<320000xi32, #tpu.memory_space<hbm>> -> memref<4000xi32, #tpu.memory_space<hbm>>
        tpu.enqueue_dma source(%dma_start3A_72 : memref<4000xi32, #tpu.memory_space<hbm>>) target(%arg12 : memref<4000xi32, #tpu.memory_space<vmem>>) target_semaphore(%run_scoped3A : memref<!tpu.dma_semaphore, #tpu.memory_space<semaphore_mem>>)
        %dma_wait3A = tpu.memref_slice %arg2[%mul3A_33] : memref<320000xi32, #tpu.memory_space<hbm>> -> memref<4000xi32, #tpu.memory_space<hbm>>
        %dma_wait3A_73 = tpu.memref_slice %arg2[%mul3A_33] : memref<320000xi32, #tpu.memory_space<hbm>> -> memref<4000xi32, #tpu.memory_space<hbm>>
        tpu.wait_dma2 semaphore(%run_scoped3A : memref<!tpu.dma_semaphore, #tpu.memory_space<semaphore_mem>>) src(%dma_wait3A_73 : memref<4000xi32, #tpu.memory_space<hbm>>) dst(%arg12 : memref<4000xi32, #tpu.memory_space<vmem>>)
        tpu.yield
      }) : () -> ()
      "tpu.region"() ({
        %run_scoped3A = tpu.sem_alloc : memref<!tpu.dma_semaphore, #tpu.memory_space<semaphore_mem>>
        %dma_start3A = tpu.memref_slice %arg3[%mul3A_33] : memref<320000xi32, #tpu.memory_space<hbm>> -> memref<4000xi32, #tpu.memory_space<hbm>>
        %dma_start3A_72 = tpu.memref_slice %arg3[%mul3A_33] : memref<320000xi32, #tpu.memory_space<hbm>> -> memref<4000xi32, #tpu.memory_space<hbm>>
        tpu.enqueue_dma source(%dma_start3A_72 : memref<4000xi32, #tpu.memory_space<hbm>>) target(%arg13 : memref<4000xi32, #tpu.memory_space<vmem>>) target_semaphore(%run_scoped3A : memref<!tpu.dma_semaphore, #tpu.memory_space<semaphore_mem>>)
        %dma_wait3A = tpu.memref_slice %arg3[%mul3A_33] : memref<320000xi32, #tpu.memory_space<hbm>> -> memref<4000xi32, #tpu.memory_space<hbm>>
        %dma_wait3A_73 = tpu.memref_slice %arg3[%mul3A_33] : memref<320000xi32, #tpu.memory_space<hbm>> -> memref<4000xi32, #tpu.memory_space<hbm>>
        tpu.wait_dma2 semaphore(%run_scoped3A : memref<!tpu.dma_semaphore, #tpu.memory_space<semaphore_mem>>) src(%dma_wait3A_73 : memref<4000xi32, #tpu.memory_space<hbm>>) dst(%arg13 : memref<4000xi32, #tpu.memory_space<vmem>>)
        tpu.yield
      }) : () -> ()
      %scan3A_34 = arith.constant 0 : i32
      %scan3A_35 = arith.constant 0 : i32
      %scan3A_36 = arith.constant 250 : i32
      %scan3A_37 = arith.addi %scan3A_35, %scan3A_36 : i32
      %scan3A_38 = arith.constant 1 : i32
      %scan3A_39 = scf.for %scan3A_72 = %scan3A_35 to %scan3A_37 step %scan3A_38 iter_args(%scan3A_73 = %scan3A_34) -> (i32)  : i32 {
        %mul3A_74 = arith.constant 16 : i32
        %mul3A_75 = arith.muli %scan3A_72, %mul3A_74 : i32
        %get3A = arith.index_cast %mul3A_75 : i32 to index
        %get3A_76 = tpu.vector_load %arg12[%get3A] {strides = array<i32>} : memref<4000xi32, #tpu.memory_space<vmem>>, vector<16xi32>,
        %ge3A = vector.broadcast %add3A_6 : i32 to vector<16xi32>
        %ge3A_77 = arith.cmpi sge, %get3A_76, %ge3A : vector<16xi32>
        %lt3A_78 = vector.broadcast %add3A_9 : i32 to vector<16xi32>
        %lt3A_79 = arith.cmpi slt, %get3A_76, %lt3A_78 : vector<16xi32>
        %and3A_80 = arith.andi %ge3A_77, %lt3A_79 : vector<16xi1>
        %add3A_81 = arith.addi %mul3A_33, %mul3A_75 : i32
        %add3A_82 = vector.broadcast %add3A_81 : i32 to vector<16xi32>
        %add3A_83 = arith.addi %add3A_82, %iota3A : vector<16xi32>
        %swap3A = arith.index_cast %scan3A_73 : i32 to index
        %swap3A_84 = tpu.vector_load %arg14[%swap3A] masked %and3A_80 {strides = array<i32>} : memref<4064xi32, #tpu.memory_space<vmem>>, vector<16xi32>, vector<16xi1>
        tpu.vector_store %arg14[%swap3A], %add3A_83 masked %and3A_80 {strides = array<i32>} : memref<4064xi32, #tpu.memory_space<vmem>>, vector<16xi32>, vector<16xi1>
        %convert_element_type3A_85 = arith.extui %and3A_80 : vector<16xi1> to vector<16xi32>
        %reduce_sum3A = arith.constant true
        %reduce_sum3A_86 = vector.broadcast %reduce_sum3A : i1 to vector<16xi1>
        %reduce_sum3A_87 = tpu.scan <sum>, %convert_element_type3A_85 masked %reduce_sum3A_86 : vector<16xi32>, vector<16xi1> -> vector<16xi32>
        %reduce_sum3A_88 = vector.extract %reduce_sum3A_87[15] : i32 from vector<16xi32>
        %add3A_89 = arith.addi %scan3A_73, %reduce_sum3A_88 : i32
        scf.yield %add3A_89 : i32
      }
      %scan3A_40 = arith.constant 250 : i32
      %add3A_41 = arith.constant 64 : i32
      %add3A_42 = arith.addi %scan3A_39, %add3A_41 : i32
      %sub3A = arith.constant 1 : i32
      %sub3A_43 = arith.subi %add3A_42, %sub3A : i32
      %jit3A_44 = arith.constant 64 : i32
      %div3A = arith.divsi %sub3A_43, %jit3A_44 : i32
      %sign3A = arith.constant 0 : i32
      %sign3A_45 = arith.cmpi sgt, %sub3A_43, %sign3A : i32
      %sign3A_46 = arith.extui %sign3A_45 : i1 to i32
      %sign3A_47 = arith.constant 0 : i32
      %sign3A_48 = arith.cmpi slt, %sub3A_43, %sign3A_47 : i32
      %sign3A_49 = arith.extui %sign3A_48 : i1 to i32
      %sign3A_50 = arith.subi %sign3A_46, %sign3A_49 : i32
      %sign3A_51 = arith.constant 0 : i32
      %sign3A_52 = arith.cmpi sgt, %jit3A_44, %sign3A_51 : i32
      %sign3A_53 = arith.extui %sign3A_52 : i1 to i32
      %sign3A_54 = arith.constant 0 : i32
      %sign3A_55 = arith.cmpi slt, %jit3A_44, %sign3A_54 : i32
      %sign3A_56 = arith.extui %sign3A_55 : i1 to i32
      %sign3A_57 = arith.subi %sign3A_53, %sign3A_56 : i32
      %ne3A = arith.cmpi ne, %sign3A_50, %sign3A_57 : i32
      %rem3A = arith.remsi %sub3A_43, %jit3A_44 : i32
      %ne3A_58 = arith.constant 0 : i32
      %ne3A_59 = arith.cmpi ne, %rem3A, %ne3A_58 : i32
      %and3A = arith.andi %ne3A, %ne3A_59 : i1
      %sub3A_60 = arith.constant 1 : i32
      %sub3A_61 = arith.subi %div3A, %sub3A_60 : i32
      %select_n3A_62 = arith.select %and3A, %sub3A_61, %div3A : i32
      %while3A = arith.constant 0 : i32
      %while3A_63 = arith.constant 0 : i32
      %while3A_64 = arith.subi %select_n3A_62, %while3A_63 : i32
      %while3A_65 = arith.addi %while3A_63, %while3A_64 : i32
      %while3A_66 = arith.constant 1 : i32
      %while3A_67 = arith.divsi %while3A_64, %while3A_66 : i32
      %while3A_68 = arith.muli %while3A_67, %while3A_66 : i32
      %while3A_69 = arith.addi %while3A_63, %while3A_68 : i32
      %while3A_70 = arith.constant 1 : i32
      scf.for %while3A_72 = %while3A_63 to %while3A_69 step %while3A_70  : i32 {
        %mul3A_73 = arith.constant 64 : i32
        %mul3A_74 = arith.muli %while3A_72, %mul3A_73 : i32
        %add3A_75 = arith.constant 0 : i32
        %add3A_76 = arith.addi %mul3A_74, %add3A_75 : i32
        %get3A = arith.index_cast %add3A_76 : i32 to index
        %get3A_77 = tpu.vector_load %arg14[%get3A] {strides = array<i32>} : memref<4064xi32, #tpu.memory_space<vmem>>, vector<16xi32>,
        %sub3A_78 = vector.broadcast %mul3A_33 : i32 to vector<16xi32>
        %sub3A_79 = arith.subi %get3A_77, %sub3A_78 : vector<16xi32>
        %jit3A_80 = arith.constant 0 : i32
        %jit3A_81 = arith.constant 3999 : i32
        %max3A = vector.broadcast %jit3A_80 : i32 to vector<16xi32>
        %max3A_82 = arith.maxsi %max3A, %sub3A_79 : vector<16xi32>
        %min3A_83 = vector.broadcast %jit3A_81 : i32 to vector<16xi32>
        %min3A_84 = arith.minsi %min3A_83, %max3A_82 : vector<16xi32>
        %gather3A = tpu.vector_load_idx %arg13[%min3A_84] : memref<4000xi32, #tpu.memory_space<vmem>>[vector<16xi32>], vector<16xi32>,
        %gather3A_85 = tpu.vector_load_idx %arg12[%min3A_84] : memref<4000xi32, #tpu.memory_space<vmem>>[vector<16xi32>], vector<16xi32>,
        %swap3A = arith.constant 0 : index
        %swap3A_86 = tpu.vector_load %arg15[%swap3A] {strides = array<i32>} : memref<64xi32, #tpu.memory_space<vmem>>, vector<16xi32>,
        tpu.vector_store %arg15[%swap3A], %gather3A {strides = array<i32>} : memref<64xi32, #tpu.memory_space<vmem>>, vector<16xi32>,
        %swap3A_87 = arith.constant 0 : index
        %swap3A_88 = tpu.vector_load %arg16[%swap3A_87] {strides = array<i32>} : memref<64xi32, #tpu.memory_space<vmem>>, vector<16xi32>,
        tpu.vector_store %arg16[%swap3A_87], %gather3A_85 {strides = array<i32>} : memref<64xi32, #tpu.memory_space<vmem>>, vector<16xi32>,
        %sub3A_89 = vector.broadcast %add3A_6 : i32 to vector<16xi32>
        %sub3A_90 = arith.subi %gather3A_85, %sub3A_89 : vector<16xi32>
        %swap3A_91 = arith.constant 0 : index
        %swap3A_92 = tpu.vector_load %arg22[%swap3A_91] {strides = array<i32>} : memref<80xi32, #tpu.memory_space<vmem>>, vector<16xi32>,
        tpu.vector_store %arg22[%swap3A_91], %sub3A_90 {strides = array<i32>} : memref<80xi32, #tpu.memory_space<vmem>>, vector<16xi32>,
        %add3A_93 = arith.constant 16 : i32
        %add3A_94 = arith.addi %mul3A_74, %add3A_93 : i32
        %get3A_95 = arith.index_cast %add3A_94 : i32 to index
        %get3A_96 = tpu.vector_load %arg14[%get3A_95] {strides = array<i32>} : memref<4064xi32, #tpu.memory_space<vmem>>, vector<16xi32>,
        %sub3A_97 = vector.broadcast %mul3A_33 : i32 to vector<16xi32>
        %sub3A_98 = arith.subi %get3A_96, %sub3A_97 : vector<16xi32>
        %jit3A_99 = arith.constant 0 : i32
        %jit3A_100 = arith.constant 3999 : i32
        %max3A_101 = vector.broadcast %jit3A_99 : i32 to vector<16xi32>
        %max3A_102 = arith.maxsi %max3A_101, %sub3A_98 : vector<16xi32>
        %min3A_103 = vector.broadcast %jit3A_100 : i32 to vector<16xi32>
        %min3A_104 = arith.minsi %min3A_103, %max3A_102 : vector<16xi32>
        %gather3A_105 = tpu.vector_load_idx %arg13[%min3A_104] : memref<4000xi32, #tpu.memory_space<vmem>>[vector<16xi32>], vector<16xi32>,
        %gather3A_106 = tpu.vector_load_idx %arg12[%min3A_104] : memref<4000xi32, #tpu.memory_space<vmem>>[vector<16xi32>], vector<16xi32>,
        %swap3A_107 = arith.constant 16 : index
        %swap3A_108 = tpu.vector_load %arg15[%swap3A_107] {strides = array<i32>} : memref<64xi32, #tpu.memory_space<vmem>>, vector<16xi32>,
        tpu.vector_store %arg15[%swap3A_107], %gather3A_105 {strides = array<i32>} : memref<64xi32, #tpu.memory_space<vmem>>, vector<16xi32>,
        %swap3A_109 = arith.constant 16 : index
        %swap3A_110 = tpu.vector_load %arg16[%swap3A_109] {strides = array<i32>} : memref<64xi32, #tpu.memory_space<vmem>>, vector<16xi32>,
        tpu.vector_store %arg16[%swap3A_109], %gather3A_106 {strides = array<i32>} : memref<64xi32, #tpu.memory_space<vmem>>, vector<16xi32>,
        %sub3A_111 = vector.broadcast %add3A_6 : i32 to vector<16xi32>
        %sub3A_112 = arith.subi %gather3A_106, %sub3A_111 : vector<16xi32>
        %swap3A_113 = arith.constant 16 : index
        %swap3A_114 = tpu.vector_load %arg22[%swap3A_113] {strides = array<i32>} : memref<80xi32, #tpu.memory_space<vmem>>, vector<16xi32>,
        tpu.vector_store %arg22[%swap3A_113], %sub3A_112 {strides = array<i32>} : memref<80xi32, #tpu.memory_space<vmem>>, vector<16xi32>,
        %add3A_115 = arith.constant 32 : i32
        %add3A_116 = arith.addi %mul3A_74, %add3A_115 : i32
        %get3A_117 = arith.index_cast %add3A_116 : i32 to index
        %get3A_118 = tpu.vector_load %arg14[%get3A_117] {strides = array<i32>} : memref<4064xi32, #tpu.memory_space<vmem>>, vector<16xi32>,
        %sub3A_119 = vector.broadcast %mul3A_33 : i32 to vector<16xi32>
        %sub3A_120 = arith.subi %get3A_118, %sub3A_119 : vector<16xi32>
        %jit3A_121 = arith.constant 0 : i32
        %jit3A_122 = arith.constant 3999 : i32
        %max3A_123 = vector.broadcast %jit3A_121 : i32 to vector<16xi32>
        %max3A_124 = arith.maxsi %max3A_123, %sub3A_120 : vector<16xi32>
        %min3A_125 = vector.broadcast %jit3A_122 : i32 to vector<16xi32>
        %min3A_126 = arith.minsi %min3A_125, %max3A_124 : vector<16xi32>
        %gather3A_127 = tpu.vector_load_idx %arg13[%min3A_126] : memref<4000xi32, #tpu.memory_space<vmem>>[vector<16xi32>], vector<16xi32>,
        %gather3A_128 = tpu.vector_load_idx %arg12[%min3A_126] : memref<4000xi32, #tpu.memory_space<vmem>>[vector<16xi32>], vector<16xi32>,
        %swap3A_129 = arith.constant 32 : index
        %swap3A_130 = tpu.vector_load %arg15[%swap3A_129] {strides = array<i32>} : memref<64xi32, #tpu.memory_space<vmem>>, vector<16xi32>,
        tpu.vector_store %arg15[%swap3A_129], %gather3A_127 {strides = array<i32>} : memref<64xi32, #tpu.memory_space<vmem>>, vector<16xi32>,
        %swap3A_131 = arith.constant 32 : index
        %swap3A_132 = tpu.vector_load %arg16[%swap3A_131] {strides = array<i32>} : memref<64xi32, #tpu.memory_space<vmem>>, vector<16xi32>,
        tpu.vector_store %arg16[%swap3A_131], %gather3A_128 {strides = array<i32>} : memref<64xi32, #tpu.memory_space<vmem>>, vector<16xi32>,
        %sub3A_133 = vector.broadcast %add3A_6 : i32 to vector<16xi32>
        %sub3A_134 = arith.subi %gather3A_128, %sub3A_133 : vector<16xi32>
        %swap3A_135 = arith.constant 32 : index
        %swap3A_136 = tpu.vector_load %arg22[%swap3A_135] {strides = array<i32>} : memref<80xi32, #tpu.memory_space<vmem>>, vector<16xi32>,
        tpu.vector_store %arg22[%swap3A_135], %sub3A_134 {strides = array<i32>} : memref<80xi32, #tpu.memory_space<vmem>>, vector<16xi32>,
        %add3A_137 = arith.constant 48 : i32
        %add3A_138 = arith.addi %mul3A_74, %add3A_137 : i32
        %get3A_139 = arith.index_cast %add3A_138 : i32 to index
        %get3A_140 = tpu.vector_load %arg14[%get3A_139] {strides = array<i32>} : memref<4064xi32, #tpu.memory_space<vmem>>, vector<16xi32>,
        %sub3A_141 = vector.broadcast %mul3A_33 : i32 to vector<16xi32>
        %sub3A_142 = arith.subi %get3A_140, %sub3A_141 : vector<16xi32>
        %jit3A_143 = arith.constant 0 : i32
        %jit3A_144 = arith.constant 3999 : i32
        %max3A_145 = vector.broadcast %jit3A_143 : i32 to vector<16xi32>
        %max3A_146 = arith.maxsi %max3A_145, %sub3A_142 : vector<16xi32>
        %min3A_147 = vector.broadcast %jit3A_144 : i32 to vector<16xi32>
        %min3A_148 = arith.minsi %min3A_147, %max3A_146 : vector<16xi32>
        %gather3A_149 = tpu.vector_load_idx %arg13[%min3A_148] : memref<4000xi32, #tpu.memory_space<vmem>>[vector<16xi32>], vector<16xi32>,
        %gather3A_150 = tpu.vector_load_idx %arg12[%min3A_148] : memref<4000xi32, #tpu.memory_space<vmem>>[vector<16xi32>], vector<16xi32>,
        %swap3A_151 = arith.constant 48 : index
        %swap3A_152 = tpu.vector_load %arg15[%swap3A_151] {strides = array<i32>} : memref<64xi32, #tpu.memory_space<vmem>>, vector<16xi32>,
        tpu.vector_store %arg15[%swap3A_151], %gather3A_149 {strides = array<i32>} : memref<64xi32, #tpu.memory_space<vmem>>, vector<16xi32>,
        %swap3A_153 = arith.constant 48 : index
        %swap3A_154 = tpu.vector_load %arg16[%swap3A_153] {strides = array<i32>} : memref<64xi32, #tpu.memory_space<vmem>>, vector<16xi32>,
        tpu.vector_store %arg16[%swap3A_153], %gather3A_150 {strides = array<i32>} : memref<64xi32, #tpu.memory_space<vmem>>, vector<16xi32>,
        %sub3A_155 = vector.broadcast %add3A_6 : i32 to vector<16xi32>
        %sub3A_156 = arith.subi %gather3A_150, %sub3A_155 : vector<16xi32>
        %swap3A_157 = arith.constant 48 : index
        %swap3A_158 = tpu.vector_load %arg22[%swap3A_157] {strides = array<i32>} : memref<80xi32, #tpu.memory_space<vmem>>, vector<16xi32>,
        tpu.vector_store %arg22[%swap3A_157], %sub3A_156 {strides = array<i32>} : memref<80xi32, #tpu.memory_space<vmem>>, vector<16xi32>,
        %dma_start3A = tpu.memref_slice %arg14[%mul3A_74] : memref<4064xi32, #tpu.memory_space<vmem>> -> memref<64xi32, #tpu.memory_space<vmem>>
        %dma_start3A_159 = arith.constant 0 : i32
        %dma_start3A_160 = arith.constant 0 : i32
        %dma_start3A_161 = tpu.memref_slice %arg6[%dma_start3A_159, %dma_start3A_160] : memref<320000x16xf32, #tpu.memory_space<hbm>> -> memref<320000x16xf32, #tpu.memory_space<hbm>>
        tpu.enqueue_indirect_dma source(%dma_start3A_161 : memref<320000x16xf32, #tpu.memory_space<hbm>>) target(%arg19 : memref<64x16xf32, #tpu.memory_space<vmem>>) offsets(%dma_start3A : memref<64xi32, #tpu.memory_space<vmem>>) semaphore(%arg24 : memref<!tpu.dma_semaphore, #tpu.memory_space<semaphore_mem>>)
        %dma_start3A_162 = arith.constant 0 : i32
        %dma_start3A_163 = arith.constant 0 : i32
        %dma_start3A_164 = tpu.memref_slice %arg4[%dma_start3A_162, %dma_start3A_163] : memref<10000x16xf32, #tpu.memory_space<hbm>> -> memref<10000x16xf32, #tpu.memory_space<hbm>>
        tpu.enqueue_indirect_dma source(%dma_start3A_164 : memref<10000x16xf32, #tpu.memory_space<hbm>>) target(%arg17 : memref<64x16xf32, #tpu.memory_space<vmem>>) offsets(%arg15 : memref<64xi32, #tpu.memory_space<vmem>>) semaphore(%arg24 : memref<!tpu.dma_semaphore, #tpu.memory_space<semaphore_mem>>)
        %dma_start3A_165 = arith.constant 0 : i32
        %dma_start3A_166 = arith.constant 0 : i32
        %dma_start3A_167 = tpu.memref_slice %arg5[%dma_start3A_165, %dma_start3A_166] : memref<10000x16xf32, #tpu.memory_space<hbm>> -> memref<10000x16xf32, #tpu.memory_space<hbm>>
        tpu.enqueue_indirect_dma source(%dma_start3A_167 : memref<10000x16xf32, #tpu.memory_space<hbm>>) target(%arg18 : memref<64x16xf32, #tpu.memory_space<vmem>>) offsets(%arg16 : memref<64xi32, #tpu.memory_space<vmem>>) semaphore(%arg24 : memref<!tpu.dma_semaphore, #tpu.memory_space<semaphore_mem>>)
        %dma_start3A_168 = arith.constant 0 : i32
        %dma_start3A_169 = arith.constant 0 : i32
        %dma_start3A_170 = tpu.memref_slice %arg7[%dma_start3A_168, %dma_start3A_169] : memref<10000x128xf32, #tpu.memory_space<hbm>> -> memref<10000x128xf32, #tpu.memory_space<hbm>>
        tpu.enqueue_indirect_dma source(%dma_start3A_170 : memref<10000x128xf32, #tpu.memory_space<hbm>>) target(%arg20 : memref<64x128xf32, #tpu.memory_space<vmem>>) offsets(%arg15 : memref<64xi32, #tpu.memory_space<vmem>>) semaphore(%arg24 : memref<!tpu.dma_semaphore, #tpu.memory_space<semaphore_mem>>)
        %dma_wait3A = tpu.memref_slice %arg14[%mul3A_74] : memref<4064xi32, #tpu.memory_space<vmem>> -> memref<64xi32, #tpu.memory_space<vmem>>
        %dma_wait3A_171 = arith.constant 0 : i32
        %dma_wait3A_172 = arith.constant 0 : i32
        %dma_wait3A_173 = tpu.memref_slice %arg6[%dma_wait3A_171, %dma_wait3A_172] : memref<320000x16xf32, #tpu.memory_space<hbm>> -> memref<320000x16xf32, #tpu.memory_space<hbm>>
        tpu.wait_indirect_dma semaphore(%arg24 : memref<!tpu.dma_semaphore, #tpu.memory_space<semaphore_mem>>) src(%dma_wait3A_173 : memref<320000x16xf32, #tpu.memory_space<hbm>>) dst(%arg19 : memref<64x16xf32, #tpu.memory_space<vmem>>)
        %dma_wait3A_174 = arith.constant 0 : i32
        %dma_wait3A_175 = arith.constant 0 : i32
        %dma_wait3A_176 = tpu.memref_slice %arg4[%dma_wait3A_174, %dma_wait3A_175] : memref<10000x16xf32, #tpu.memory_space<hbm>> -> memref<10000x16xf32, #tpu.memory_space<hbm>>
        tpu.wait_indirect_dma semaphore(%arg24 : memref<!tpu.dma_semaphore, #tpu.memory_space<semaphore_mem>>) src(%dma_wait3A_176 : memref<10000x16xf32, #tpu.memory_space<hbm>>) dst(%arg17 : memref<64x16xf32, #tpu.memory_space<vmem>>)
        %dma_wait3A_177 = arith.constant 0 : i32
        %dma_wait3A_178 = arith.constant 0 : i32
        %dma_wait3A_179 = tpu.memref_slice %arg5[%dma_wait3A_177, %dma_wait3A_178] : memref<10000x16xf32, #tpu.memory_space<hbm>> -> memref<10000x16xf32, #tpu.memory_space<hbm>>
        tpu.wait_indirect_dma semaphore(%arg24 : memref<!tpu.dma_semaphore, #tpu.memory_space<semaphore_mem>>) src(%dma_wait3A_179 : memref<10000x16xf32, #tpu.memory_space<hbm>>) dst(%arg18 : memref<64x16xf32, #tpu.memory_space<vmem>>)
        %dma_wait3A_180 = arith.constant 0 : i32
        %dma_wait3A_181 = arith.constant 0 : i32
        %dma_wait3A_182 = tpu.memref_slice %arg7[%dma_wait3A_180, %dma_wait3A_181] : memref<10000x128xf32, #tpu.memory_space<hbm>> -> memref<10000x128xf32, #tpu.memory_space<hbm>>
        tpu.wait_indirect_dma semaphore(%arg24 : memref<!tpu.dma_semaphore, #tpu.memory_space<semaphore_mem>>) src(%dma_wait3A_182 : memref<10000x128xf32, #tpu.memory_space<hbm>>) dst(%arg20 : memref<64x128xf32, #tpu.memory_space<vmem>>)
        %sub3A_183 = arith.subi %scan3A_39, %mul3A_74 : i32
        %min3A_184 = arith.constant 64 : i32
        %min3A_185 = arith.minsi %sub3A_183, %min3A_184 : i32
        %while3A_186 = arith.constant 0 : i32
        %while3A_187 = arith.constant 0 : i32
        %while3A_188 = arith.subi %min3A_185, %while3A_187 : i32
        %while3A_189 = arith.addi %while3A_187, %while3A_188 : i32
        %while3A_190 = arith.constant 1 : i32
        %while3A_191 = arith.divsi %while3A_188, %while3A_190 : i32
        %while3A_192 = arith.muli %while3A_191, %while3A_190 : i32
        %while3A_193 = arith.addi %while3A_187, %while3A_192 : i32
        %while3A_194 = arith.constant 1 : i32
        scf.for %while3A_196 = %while3A_187 to %while3A_193 step %while3A_194  : i32 {
          %get3A_197 = arith.index_cast %while3A_196 : i32 to index
          %get3A_198 = arith.constant 0 : index
          %get3A_199 = tpu.vector_load %arg17[%get3A_197, %get3A_198] {strides = array<i32>} : memref<64x16xf32, #tpu.memory_space<vmem>>, vector<16xf32>,
          %get3A_200 = arith.index_cast %while3A_196 : i32 to index
          %get3A_201 = arith.constant 0 : index
          %get3A_202 = tpu.vector_load %arg18[%get3A_200, %get3A_201] {strides = array<i32>} : memref<64x16xf32, #tpu.memory_space<vmem>>, vector<16xf32>,
          %add3A_203 = arith.addf %get3A_199, %get3A_202 : vector<16xf32>
          %get3A_204 = arith.index_cast %while3A_196 : i32 to index
          %get3A_205 = arith.constant 0 : index
          %get3A_206 = tpu.vector_load %arg19[%get3A_204, %get3A_205] {strides = array<i32>} : memref<64x16xf32, #tpu.memory_space<vmem>>, vector<16xf32>,
          %add3A_207 = arith.addf %add3A_203, %get3A_206 : vector<16xf32>
          %gt3A = arith.constant 0.000000e+00 : f32
          %gt3A_208 = vector.broadcast %gt3A : f32 to vector<16xf32>
          %gt3A_209 = arith.cmpf ogt, %add3A_207, %gt3A_208 : vector<16xf32>
          %mul3A_210 = arith.constant 2.000000e-01 : f32
          %mul3A_211 = vector.broadcast %mul3A_210 : f32 to vector<16xf32>
          %mul3A_212 = arith.mulf %mul3A_211, %add3A_207 : vector<16xf32>
          %select_n3A_213 = arith.select %gt3A_209, %add3A_207, %mul3A_212 : vector<16xi1>, vector<16xf32>
          %lt3A_214 = arith.constant 4 : i32
          %lt3A_215 = vector.broadcast %lt3A_214 : i32 to vector<16xi32>
          %lt3A_216 = arith.cmpi slt, %iota3A, %lt3A_215 : vector<16xi32>
          %exp3A = math.exp %select_n3A_213 : vector<16xf32>
          %jit3A_217 = arith.constant 0.000000e+00 : f32
          %broadcast_in_dim3A_218 = vector.broadcast %jit3A_217 : f32 to vector<16xf32>
          %select_n3A_219 = arith.select %lt3A_216, %exp3A, %broadcast_in_dim3A_218 : vector<16xi1>, vector<16xf32>
          %mul3A_220 = arith.constant 16 : i32
          %mul3A_221 = arith.muli %while3A_196, %mul3A_220 : i32
          %swap3A_222 = arith.index_cast %mul3A_221 : i32 to index
          %swap3A_223 = tpu.vector_load %arg21[%swap3A_222] {strides = array<i32>} : memref<1024xf32, #tpu.memory_space<vmem>>, vector<16xf32>,
          tpu.vector_store %arg21[%swap3A_222], %select_n3A_219 {strides = array<i32>} : memref<1024xf32, #tpu.memory_space<vmem>>, vector<16xf32>,
          %get3A_224 = arith.index_cast %while3A_196 : i32 to index
          %get3A_225 = tpu.vector_load %arg22[%get3A_224] {strides = array<i32>} : memref<80xi32, #tpu.memory_space<vmem>>, vector<16xi32>,
          %slice3A = vector.extract_strided_slice %get3A_225 {offsets = [0], sizes = [1], strides = [1]} : vector<16xi32> to vector<1xi32>
          %squeeze3A = vector.extract %slice3A[0] : i32 from vector<1xi32>
          %get3A_226 = arith.index_cast %squeeze3A : i32 to index
          %get3A_227 = arith.constant 0 : index
          %get3A_228 = tpu.vector_load %arg11[%get3A_226, %get3A_227] {strides = array<i32>} : memref<320x16xf32, #tpu.memory_space<vmem>>, vector<16xf32>,
          %add3A_229 = arith.addf %get3A_228, %select_n3A_219 : vector<16xf32>
          %swap3A_230 = arith.index_cast %squeeze3A : i32 to index
          %swap3A_231 = arith.constant 0 : index
          %swap3A_232 = tpu.vector_load %arg11[%swap3A_230, %swap3A_231] {strides = array<i32>} : memref<320x16xf32, #tpu.memory_space<vmem>>, vector<16xf32>,
          tpu.vector_store %arg11[%swap3A_230, %swap3A_231], %add3A_229 {strides = array<i32>} : memref<320x16xf32, #tpu.memory_space<vmem>>, vector<16xf32>,
          %mul3A_233 = arith.constant 16 : i32
          %mul3A_234 = arith.muli %while3A_196, %mul3A_233 : i32
          %add3A_235 = arith.constant 0 : i32
          %add3A_236 = arith.addi %mul3A_234, %add3A_235 : i32
          %broadcast_in_dim3A_237 = vector.broadcast %add3A_236 : i32 to vector<16xi32>
          %gather3A_238 = tpu.vector_load_idx %arg21[%broadcast_in_dim3A_237] : memref<1024xf32, #tpu.memory_space<vmem>>[vector<16xi32>], vector<16xf32>,
          %get3A_239 = arith.index_cast %squeeze3A : i32 to index
          %get3A_240 = arith.constant 0 : index
          %get3A_241 = tpu.vector_load %arg10[%get3A_239, %get3A_240] {strides = array<i32>} : memref<320x128xf32, #tpu.memory_space<vmem>>, vector<16xf32>,
          %get3A_242 = arith.index_cast %while3A_196 : i32 to index
          %get3A_243 = arith.constant 0 : index
          %get3A_244 = tpu.vector_load %arg20[%get3A_242, %get3A_243] {strides = array<i32>} : memref<64x128xf32, #tpu.memory_space<vmem>>, vector<16xf32>,
          %mul3A_245 = arith.mulf %get3A_244, %gather3A_238 : vector<16xf32>
          %add3A_246 = arith.addf %get3A_241, %mul3A_245 : vector<16xf32>
          %swap3A_247 = arith.index_cast %squeeze3A : i32 to index
          %swap3A_248 = arith.constant 0 : index
          %swap3A_249 = tpu.vector_load %arg10[%swap3A_247, %swap3A_248] {strides = array<i32>} : memref<320x128xf32, #tpu.memory_space<vmem>>, vector<16xf32>,
          tpu.vector_store %arg10[%swap3A_247, %swap3A_248], %add3A_246 {strides = array<i32>} : memref<320x128xf32, #tpu.memory_space<vmem>>, vector<16xf32>,
          %mul3A_250 = arith.constant 16 : i32
          %mul3A_251 = arith.muli %while3A_196, %mul3A_250 : i32
          %add3A_252 = arith.constant 0 : i32
          %add3A_253 = arith.addi %mul3A_251, %add3A_252 : i32
          %broadcast_in_dim3A_254 = vector.broadcast %add3A_253 : i32 to vector<16xi32>
          %gather3A_255 = tpu.vector_load_idx %arg21[%broadcast_in_dim3A_254] : memref<1024xf32, #tpu.memory_space<vmem>>[vector<16xi32>], vector<16xf32>,
          %get3A_256 = arith.index_cast %squeeze3A : i32 to index
          %get3A_257 = arith.constant 16 : index
          %get3A_258 = tpu.vector_load %arg10[%get3A_256, %get3A_257] {strides = array<i32>} : memref<320x128xf32, #tpu.memory_space<vmem>>, vector<16xf32>,
          %get3A_259 = arith.index_cast %while3A_196 : i32 to index
          %get3A_260 = arith.constant 16 : index
          %get3A_261 = tpu.vector_load %arg20[%get3A_259, %get3A_260] {strides = array<i32>} : memref<64x128xf32, #tpu.memory_space<vmem>>, vector<16xf32>,
          %mul3A_262 = arith.mulf %get3A_261, %gather3A_255 : vector<16xf32>
          %add3A_263 = arith.addf %get3A_258, %mul3A_262 : vector<16xf32>
          %swap3A_264 = arith.index_cast %squeeze3A : i32 to index
          %swap3A_265 = arith.constant 16 : index
          %swap3A_266 = tpu.vector_load %arg10[%swap3A_264, %swap3A_265] {strides = array<i32>} : memref<320x128xf32, #tpu.memory_space<vmem>>, vector<16xf32>,
          tpu.vector_store %arg10[%swap3A_264, %swap3A_265], %add3A_263 {strides = array<i32>} : memref<320x128xf32, #tpu.memory_space<vmem>>, vector<16xf32>,
          %mul3A_267 = arith.constant 16 : i32
          %mul3A_268 = arith.muli %while3A_196, %mul3A_267 : i32
          %add3A_269 = arith.constant 1 : i32
          %add3A_270 = arith.addi %mul3A_268, %add3A_269 : i32
          %broadcast_in_dim3A_271 = vector.broadcast %add3A_270 : i32 to vector<16xi32>
          %gather3A_272 = tpu.vector_load_idx %arg21[%broadcast_in_dim3A_271] : memref<1024xf32, #tpu.memory_space<vmem>>[vector<16xi32>], vector<16xf32>,
          %get3A_273 = arith.index_cast %squeeze3A : i32 to index
          %get3A_274 = arith.constant 32 : index
          %get3A_275 = tpu.vector_load %arg10[%get3A_273, %get3A_274] {strides = array<i32>} : memref<320x128xf32, #tpu.memory_space<vmem>>, vector<16xf32>,
          %get3A_276 = arith.index_cast %while3A_196 : i32 to index
          %get3A_277 = arith.constant 32 : index
          %get3A_278 = tpu.vector_load %arg20[%get3A_276, %get3A_277] {strides = array<i32>} : memref<64x128xf32, #tpu.memory_space<vmem>>, vector<16xf32>,
          %mul3A_279 = arith.mulf %get3A_278, %gather3A_272 : vector<16xf32>
          %add3A_280 = arith.addf %get3A_275, %mul3A_279 : vector<16xf32>
          %swap3A_281 = arith.index_cast %squeeze3A : i32 to index
          %swap3A_282 = arith.constant 32 : index
          %swap3A_283 = tpu.vector_load %arg10[%swap3A_281, %swap3A_282] {strides = array<i32>} : memref<320x128xf32, #tpu.memory_space<vmem>>, vector<16xf32>,
          tpu.vector_store %arg10[%swap3A_281, %swap3A_282], %add3A_280 {strides = array<i32>} : memref<320x128xf32, #tpu.memory_space<vmem>>, vector<16xf32>,
          %mul3A_284 = arith.constant 16 : i32
          %mul3A_285 = arith.muli %while3A_196, %mul3A_284 : i32
          %add3A_286 = arith.constant 1 : i32
          %add3A_287 = arith.addi %mul3A_285, %add3A_286 : i32
          %broadcast_in_dim3A_288 = vector.broadcast %add3A_287 : i32 to vector<16xi32>
          %gather3A_289 = tpu.vector_load_idx %arg21[%broadcast_in_dim3A_288] : memref<1024xf32, #tpu.memory_space<vmem>>[vector<16xi32>], vector<16xf32>,
          %get3A_290 = arith.index_cast %squeeze3A : i32 to index
          %get3A_291 = arith.constant 48 : index
          %get3A_292 = tpu.vector_load %arg10[%get3A_290, %get3A_291] {strides = array<i32>} : memref<320x128xf32, #tpu.memory_space<vmem>>, vector<16xf32>,
          %get3A_293 = arith.index_cast %while3A_196 : i32 to index
          %get3A_294 = arith.constant 48 : index
          %get3A_295 = tpu.vector_load %arg20[%get3A_293, %get3A_294] {strides = array<i32>} : memref<64x128xf32, #tpu.memory_space<vmem>>, vector<16xf32>,
          %mul3A_296 = arith.mulf %get3A_295, %gather3A_289 : vector<16xf32>
          %add3A_297 = arith.addf %get3A_292, %mul3A_296 : vector<16xf32>
          %swap3A_298 = arith.index_cast %squeeze3A : i32 to index
          %swap3A_299 = arith.constant 48 : index
          %swap3A_300 = tpu.vector_load %arg10[%swap3A_298, %swap3A_299] {strides = array<i32>} : memref<320x128xf32, #tpu.memory_space<vmem>>, vector<16xf32>,
          tpu.vector_store %arg10[%swap3A_298, %swap3A_299], %add3A_297 {strides = array<i32>} : memref<320x128xf32, #tpu.memory_space<vmem>>, vector<16xf32>,
          %mul3A_301 = arith.constant 16 : i32
          %mul3A_302 = arith.muli %while3A_196, %mul3A_301 : i32
          %add3A_303 = arith.constant 2 : i32
          %add3A_304 = arith.addi %mul3A_302, %add3A_303 : i32
          %broadcast_in_dim3A_305 = vector.broadcast %add3A_304 : i32 to vector<16xi32>
          %gather3A_306 = tpu.vector_load_idx %arg21[%broadcast_in_dim3A_305] : memref<1024xf32, #tpu.memory_space<vmem>>[vector<16xi32>], vector<16xf32>,
          %get3A_307 = arith.index_cast %squeeze3A : i32 to index
          %get3A_308 = arith.constant 64 : index
          %get3A_309 = tpu.vector_load %arg10[%get3A_307, %get3A_308] {strides = array<i32>} : memref<320x128xf32, #tpu.memory_space<vmem>>, vector<16xf32>,
          %get3A_310 = arith.index_cast %while3A_196 : i32 to index
          %get3A_311 = arith.constant 64 : index
          %get3A_312 = tpu.vector_load %arg20[%get3A_310, %get3A_311] {strides = array<i32>} : memref<64x128xf32, #tpu.memory_space<vmem>>, vector<16xf32>,
          %mul3A_313 = arith.mulf %get3A_312, %gather3A_306 : vector<16xf32>
          %add3A_314 = arith.addf %get3A_309, %mul3A_313 : vector<16xf32>
          %swap3A_315 = arith.index_cast %squeeze3A : i32 to index
          %swap3A_316 = arith.constant 64 : index
          %swap3A_317 = tpu.vector_load %arg10[%swap3A_315, %swap3A_316] {strides = array<i32>} : memref<320x128xf32, #tpu.memory_space<vmem>>, vector<16xf32>,
          tpu.vector_store %arg10[%swap3A_315, %swap3A_316], %add3A_314 {strides = array<i32>} : memref<320x128xf32, #tpu.memory_space<vmem>>, vector<16xf32>,
          %mul3A_318 = arith.constant 16 : i32
          %mul3A_319 = arith.muli %while3A_196, %mul3A_318 : i32
          %add3A_320 = arith.constant 2 : i32
          %add3A_321 = arith.addi %mul3A_319, %add3A_320 : i32
          %broadcast_in_dim3A_322 = vector.broadcast %add3A_321 : i32 to vector<16xi32>
          %gather3A_323 = tpu.vector_load_idx %arg21[%broadcast_in_dim3A_322] : memref<1024xf32, #tpu.memory_space<vmem>>[vector<16xi32>], vector<16xf32>,
          %get3A_324 = arith.index_cast %squeeze3A : i32 to index
          %get3A_325 = arith.constant 80 : index
          %get3A_326 = tpu.vector_load %arg10[%get3A_324, %get3A_325] {strides = array<i32>} : memref<320x128xf32, #tpu.memory_space<vmem>>, vector<16xf32>,
          %get3A_327 = arith.index_cast %while3A_196 : i32 to index
          %get3A_328 = arith.constant 80 : index
          %get3A_329 = tpu.vector_load %arg20[%get3A_327, %get3A_328] {strides = array<i32>} : memref<64x128xf32, #tpu.memory_space<vmem>>, vector<16xf32>,
          %mul3A_330 = arith.mulf %get3A_329, %gather3A_323 : vector<16xf32>
          %add3A_331 = arith.addf %get3A_326, %mul3A_330 : vector<16xf32>
          %swap3A_332 = arith.index_cast %squeeze3A : i32 to index
          %swap3A_333 = arith.constant 80 : index
          %swap3A_334 = tpu.vector_load %arg10[%swap3A_332, %swap3A_333] {strides = array<i32>} : memref<320x128xf32, #tpu.memory_space<vmem>>, vector<16xf32>,
          tpu.vector_store %arg10[%swap3A_332, %swap3A_333], %add3A_331 {strides = array<i32>} : memref<320x128xf32, #tpu.memory_space<vmem>>, vector<16xf32>,
          %mul3A_335 = arith.constant 16 : i32
          %mul3A_336 = arith.muli %while3A_196, %mul3A_335 : i32
          %add3A_337 = arith.constant 3 : i32
          %add3A_338 = arith.addi %mul3A_336, %add3A_337 : i32
          %broadcast_in_dim3A_339 = vector.broadcast %add3A_338 : i32 to vector<16xi32>
          %gather3A_340 = tpu.vector_load_idx %arg21[%broadcast_in_dim3A_339] : memref<1024xf32, #tpu.memory_space<vmem>>[vector<16xi32>], vector<16xf32>,
          %get3A_341 = arith.index_cast %squeeze3A : i32 to index
          %get3A_342 = arith.constant 96 : index
          %get3A_343 = tpu.vector_load %arg10[%get3A_341, %get3A_342] {strides = array<i32>} : memref<320x128xf32, #tpu.memory_space<vmem>>, vector<16xf32>,
          %get3A_344 = arith.index_cast %while3A_196 : i32 to index
          %get3A_345 = arith.constant 96 : index
          %get3A_346 = tpu.vector_load %arg20[%get3A_344, %get3A_345] {strides = array<i32>} : memref<64x128xf32, #tpu.memory_space<vmem>>, vector<16xf32>,
          %mul3A_347 = arith.mulf %get3A_346, %gather3A_340 : vector<16xf32>
          %add3A_348 = arith.addf %get3A_343, %mul3A_347 : vector<16xf32>
          %swap3A_349 = arith.index_cast %squeeze3A : i32 to index
          %swap3A_350 = arith.constant 96 : index
          %swap3A_351 = tpu.vector_load %arg10[%swap3A_349, %swap3A_350] {strides = array<i32>} : memref<320x128xf32, #tpu.memory_space<vmem>>, vector<16xf32>,
          tpu.vector_store %arg10[%swap3A_349, %swap3A_350], %add3A_348 {strides = array<i32>} : memref<320x128xf32, #tpu.memory_space<vmem>>, vector<16xf32>,
          %mul3A_352 = arith.constant 16 : i32
          %mul3A_353 = arith.muli %while3A_196, %mul3A_352 : i32
          %add3A_354 = arith.constant 3 : i32
          %add3A_355 = arith.addi %mul3A_353, %add3A_354 : i32
          %broadcast_in_dim3A_356 = vector.broadcast %add3A_355 : i32 to vector<16xi32>
          %gather3A_357 = tpu.vector_load_idx %arg21[%broadcast_in_dim3A_356] : memref<1024xf32, #tpu.memory_space<vmem>>[vector<16xi32>], vector<16xf32>,
          %get3A_358 = arith.index_cast %squeeze3A : i32 to index
          %get3A_359 = arith.constant 112 : index
          %get3A_360 = tpu.vector_load %arg10[%get3A_358, %get3A_359] {strides = array<i32>} : memref<320x128xf32, #tpu.memory_space<vmem>>, vector<16xf32>,
          %get3A_361 = arith.index_cast %while3A_196 : i32 to index
          %get3A_362 = arith.constant 112 : index
          %get3A_363 = tpu.vector_load %arg20[%get3A_361, %get3A_362] {strides = array<i32>} : memref<64x128xf32, #tpu.memory_space<vmem>>, vector<16xf32>,
          %mul3A_364 = arith.mulf %get3A_363, %gather3A_357 : vector<16xf32>
          %add3A_365 = arith.addf %get3A_360, %mul3A_364 : vector<16xf32>
          %swap3A_366 = arith.index_cast %squeeze3A : i32 to index
          %swap3A_367 = arith.constant 112 : index
          %swap3A_368 = tpu.vector_load %arg10[%swap3A_366, %swap3A_367] {strides = array<i32>} : memref<320x128xf32, #tpu.memory_space<vmem>>, vector<16xf32>,
          tpu.vector_store %arg10[%swap3A_366, %swap3A_367], %add3A_365 {strides = array<i32>} : memref<320x128xf32, #tpu.memory_space<vmem>>, vector<16xf32>,
        }
        %while3A_195 = arith.constant 1 : i32
        scf.for %while3A_196 = %while3A_193 to %while3A_189 step %while3A_195  : i32 {
          %get3A_197 = arith.index_cast %while3A_196 : i32 to index
          %get3A_198 = arith.constant 0 : index
          %get3A_199 = tpu.vector_load %arg17[%get3A_197, %get3A_198] {strides = array<i32>} : memref<64x16xf32, #tpu.memory_space<vmem>>, vector<16xf32>,
          %get3A_200 = arith.index_cast %while3A_196 : i32 to index
          %get3A_201 = arith.constant 0 : index
          %get3A_202 = tpu.vector_load %arg18[%get3A_200, %get3A_201] {strides = array<i32>} : memref<64x16xf32, #tpu.memory_space<vmem>>, vector<16xf32>,
          %add3A_203 = arith.addf %get3A_199, %get3A_202 : vector<16xf32>
          %get3A_204 = arith.index_cast %while3A_196 : i32 to index
          %get3A_205 = arith.constant 0 : index
          %get3A_206 = tpu.vector_load %arg19[%get3A_204, %get3A_205] {strides = array<i32>} : memref<64x16xf32, #tpu.memory_space<vmem>>, vector<16xf32>,
          %add3A_207 = arith.addf %add3A_203, %get3A_206 : vector<16xf32>
          %gt3A = arith.constant 0.000000e+00 : f32
          %gt3A_208 = vector.broadcast %gt3A : f32 to vector<16xf32>
          %gt3A_209 = arith.cmpf ogt, %add3A_207, %gt3A_208 : vector<16xf32>
          %mul3A_210 = arith.constant 2.000000e-01 : f32
          %mul3A_211 = vector.broadcast %mul3A_210 : f32 to vector<16xf32>
          %mul3A_212 = arith.mulf %mul3A_211, %add3A_207 : vector<16xf32>
          %select_n3A_213 = arith.select %gt3A_209, %add3A_207, %mul3A_212 : vector<16xi1>, vector<16xf32>
          %lt3A_214 = arith.constant 4 : i32
          %lt3A_215 = vector.broadcast %lt3A_214 : i32 to vector<16xi32>
          %lt3A_216 = arith.cmpi slt, %iota3A, %lt3A_215 : vector<16xi32>
          %exp3A = math.exp %select_n3A_213 : vector<16xf32>
          %jit3A_217 = arith.constant 0.000000e+00 : f32
          %broadcast_in_dim3A_218 = vector.broadcast %jit3A_217 : f32 to vector<16xf32>
          %select_n3A_219 = arith.select %lt3A_216, %exp3A, %broadcast_in_dim3A_218 : vector<16xi1>, vector<16xf32>
          %mul3A_220 = arith.constant 16 : i32
          %mul3A_221 = arith.muli %while3A_196, %mul3A_220 : i32
          %swap3A_222 = arith.index_cast %mul3A_221 : i32 to index
          %swap3A_223 = tpu.vector_load %arg21[%swap3A_222] {strides = array<i32>} : memref<1024xf32, #tpu.memory_space<vmem>>, vector<16xf32>,
          tpu.vector_store %arg21[%swap3A_222], %select_n3A_219 {strides = array<i32>} : memref<1024xf32, #tpu.memory_space<vmem>>, vector<16xf32>,
          %get3A_224 = arith.index_cast %while3A_196 : i32 to index
          %get3A_225 = tpu.vector_load %arg22[%get3A_224] {strides = array<i32>} : memref<80xi32, #tpu.memory_space<vmem>>, vector<16xi32>,
          %slice3A = vector.extract_strided_slice %get3A_225 {offsets = [0], sizes = [1], strides = [1]} : vector<16xi32> to vector<1xi32>
          %squeeze3A = vector.extract %slice3A[0] : i32 from vector<1xi32>
          %get3A_226 = arith.index_cast %squeeze3A : i32 to index
          %get3A_227 = arith.constant 0 : index
          %get3A_228 = tpu.vector_load %arg11[%get3A_226, %get3A_227] {strides = array<i32>} : memref<320x16xf32, #tpu.memory_space<vmem>>, vector<16xf32>,
          %add3A_229 = arith.addf %get3A_228, %select_n3A_219 : vector<16xf32>
          %swap3A_230 = arith.index_cast %squeeze3A : i32 to index
          %swap3A_231 = arith.constant 0 : index
          %swap3A_232 = tpu.vector_load %arg11[%swap3A_230, %swap3A_231] {strides = array<i32>} : memref<320x16xf32, #tpu.memory_space<vmem>>, vector<16xf32>,
          tpu.vector_store %arg11[%swap3A_230, %swap3A_231], %add3A_229 {strides = array<i32>} : memref<320x16xf32, #tpu.memory_space<vmem>>, vector<16xf32>,
          %mul3A_233 = arith.constant 16 : i32
          %mul3A_234 = arith.muli %while3A_196, %mul3A_233 : i32
          %add3A_235 = arith.constant 0 : i32
          %add3A_236 = arith.addi %mul3A_234, %add3A_235 : i32
          %broadcast_in_dim3A_237 = vector.broadcast %add3A_236 : i32 to vector<16xi32>
          %gather3A_238 = tpu.vector_load_idx %arg21[%broadcast_in_dim3A_237] : memref<1024xf32, #tpu.memory_space<vmem>>[vector<16xi32>], vector<16xf32>,
          %get3A_239 = arith.index_cast %squeeze3A : i32 to index
          %get3A_240 = arith.constant 0 : index
          %get3A_241 = tpu.vector_load %arg10[%get3A_239, %get3A_240] {strides = array<i32>} : memref<320x128xf32, #tpu.memory_space<vmem>>, vector<16xf32>,
          %get3A_242 = arith.index_cast %while3A_196 : i32 to index
          %get3A_243 = arith.constant 0 : index
          %get3A_244 = tpu.vector_load %arg20[%get3A_242, %get3A_243] {strides = array<i32>} : memref<64x128xf32, #tpu.memory_space<vmem>>, vector<16xf32>,
          %mul3A_245 = arith.mulf %get3A_244, %gather3A_238 : vector<16xf32>
          %add3A_246 = arith.addf %get3A_241, %mul3A_245 : vector<16xf32>
          %swap3A_247 = arith.index_cast %squeeze3A : i32 to index
          %swap3A_248 = arith.constant 0 : index
          %swap3A_249 = tpu.vector_load %arg10[%swap3A_247, %swap3A_248] {strides = array<i32>} : memref<320x128xf32, #tpu.memory_space<vmem>>, vector<16xf32>,
          tpu.vector_store %arg10[%swap3A_247, %swap3A_248], %add3A_246 {strides = array<i32>} : memref<320x128xf32, #tpu.memory_space<vmem>>, vector<16xf32>,
          %mul3A_250 = arith.constant 16 : i32
          %mul3A_251 = arith.muli %while3A_196, %mul3A_250 : i32
          %add3A_252 = arith.constant 0 : i32
          %add3A_253 = arith.addi %mul3A_251, %add3A_252 : i32
          %broadcast_in_dim3A_254 = vector.broadcast %add3A_253 : i32 to vector<16xi32>
          %gather3A_255 = tpu.vector_load_idx %arg21[%broadcast_in_dim3A_254] : memref<1024xf32, #tpu.memory_space<vmem>>[vector<16xi32>], vector<16xf32>,
          %get3A_256 = arith.index_cast %squeeze3A : i32 to index
          %get3A_257 = arith.constant 16 : index
          %get3A_258 = tpu.vector_load %arg10[%get3A_256, %get3A_257] {strides = array<i32>} : memref<320x128xf32, #tpu.memory_space<vmem>>, vector<16xf32>,
          %get3A_259 = arith.index_cast %while3A_196 : i32 to index
          %get3A_260 = arith.constant 16 : index
          %get3A_261 = tpu.vector_load %arg20[%get3A_259, %get3A_260] {strides = array<i32>} : memref<64x128xf32, #tpu.memory_space<vmem>>, vector<16xf32>,
          %mul3A_262 = arith.mulf %get3A_261, %gather3A_255 : vector<16xf32>
          %add3A_263 = arith.addf %get3A_258, %mul3A_262 : vector<16xf32>
          %swap3A_264 = arith.index_cast %squeeze3A : i32 to index
          %swap3A_265 = arith.constant 16 : index
          %swap3A_266 = tpu.vector_load %arg10[%swap3A_264, %swap3A_265] {strides = array<i32>} : memref<320x128xf32, #tpu.memory_space<vmem>>, vector<16xf32>,
          tpu.vector_store %arg10[%swap3A_264, %swap3A_265], %add3A_263 {strides = array<i32>} : memref<320x128xf32, #tpu.memory_space<vmem>>, vector<16xf32>,
          %mul3A_267 = arith.constant 16 : i32
          %mul3A_268 = arith.muli %while3A_196, %mul3A_267 : i32
          %add3A_269 = arith.constant 1 : i32
          %add3A_270 = arith.addi %mul3A_268, %add3A_269 : i32
          %broadcast_in_dim3A_271 = vector.broadcast %add3A_270 : i32 to vector<16xi32>
          %gather3A_272 = tpu.vector_load_idx %arg21[%broadcast_in_dim3A_271] : memref<1024xf32, #tpu.memory_space<vmem>>[vector<16xi32>], vector<16xf32>,
          %get3A_273 = arith.index_cast %squeeze3A : i32 to index
          %get3A_274 = arith.constant 32 : index
          %get3A_275 = tpu.vector_load %arg10[%get3A_273, %get3A_274] {strides = array<i32>} : memref<320x128xf32, #tpu.memory_space<vmem>>, vector<16xf32>,
          %get3A_276 = arith.index_cast %while3A_196 : i32 to index
          %get3A_277 = arith.constant 32 : index
          %get3A_278 = tpu.vector_load %arg20[%get3A_276, %get3A_277] {strides = array<i32>} : memref<64x128xf32, #tpu.memory_space<vmem>>, vector<16xf32>,
          %mul3A_279 = arith.mulf %get3A_278, %gather3A_272 : vector<16xf32>
          %add3A_280 = arith.addf %get3A_275, %mul3A_279 : vector<16xf32>
          %swap3A_281 = arith.index_cast %squeeze3A : i32 to index
          %swap3A_282 = arith.constant 32 : index
          %swap3A_283 = tpu.vector_load %arg10[%swap3A_281, %swap3A_282] {strides = array<i32>} : memref<320x128xf32, #tpu.memory_space<vmem>>, vector<16xf32>,
          tpu.vector_store %arg10[%swap3A_281, %swap3A_282], %add3A_280 {strides = array<i32>} : memref<320x128xf32, #tpu.memory_space<vmem>>, vector<16xf32>,
          %mul3A_284 = arith.constant 16 : i32
          %mul3A_285 = arith.muli %while3A_196, %mul3A_284 : i32
          %add3A_286 = arith.constant 1 : i32
          %add3A_287 = arith.addi %mul3A_285, %add3A_286 : i32
          %broadcast_in_dim3A_288 = vector.broadcast %add3A_287 : i32 to vector<16xi32>
          %gather3A_289 = tpu.vector_load_idx %arg21[%broadcast_in_dim3A_288] : memref<1024xf32, #tpu.memory_space<vmem>>[vector<16xi32>], vector<16xf32>,
          %get3A_290 = arith.index_cast %squeeze3A : i32 to index
          %get3A_291 = arith.constant 48 : index
          %get3A_292 = tpu.vector_load %arg10[%get3A_290, %get3A_291] {strides = array<i32>} : memref<320x128xf32, #tpu.memory_space<vmem>>, vector<16xf32>,
          %get3A_293 = arith.index_cast %while3A_196 : i32 to index
          %get3A_294 = arith.constant 48 : index
          %get3A_295 = tpu.vector_load %arg20[%get3A_293, %get3A_294] {strides = array<i32>} : memref<64x128xf32, #tpu.memory_space<vmem>>, vector<16xf32>,
          %mul3A_296 = arith.mulf %get3A_295, %gather3A_289 : vector<16xf32>
          %add3A_297 = arith.addf %get3A_292, %mul3A_296 : vector<16xf32>
          %swap3A_298 = arith.index_cast %squeeze3A : i32 to index
          %swap3A_299 = arith.constant 48 : index
          %swap3A_300 = tpu.vector_load %arg10[%swap3A_298, %swap3A_299] {strides = array<i32>} : memref<320x128xf32, #tpu.memory_space<vmem>>, vector<16xf32>,
          tpu.vector_store %arg10[%swap3A_298, %swap3A_299], %add3A_297 {strides = array<i32>} : memref<320x128xf32, #tpu.memory_space<vmem>>, vector<16xf32>,
          %mul3A_301 = arith.constant 16 : i32
          %mul3A_302 = arith.muli %while3A_196, %mul3A_301 : i32
          %add3A_303 = arith.constant 2 : i32
          %add3A_304 = arith.addi %mul3A_302, %add3A_303 : i32
          %broadcast_in_dim3A_305 = vector.broadcast %add3A_304 : i32 to vector<16xi32>
          %gather3A_306 = tpu.vector_load_idx %arg21[%broadcast_in_dim3A_305] : memref<1024xf32, #tpu.memory_space<vmem>>[vector<16xi32>], vector<16xf32>,
          %get3A_307 = arith.index_cast %squeeze3A : i32 to index
          %get3A_308 = arith.constant 64 : index
          %get3A_309 = tpu.vector_load %arg10[%get3A_307, %get3A_308] {strides = array<i32>} : memref<320x128xf32, #tpu.memory_space<vmem>>, vector<16xf32>,
          %get3A_310 = arith.index_cast %while3A_196 : i32 to index
          %get3A_311 = arith.constant 64 : index
          %get3A_312 = tpu.vector_load %arg20[%get3A_310, %get3A_311] {strides = array<i32>} : memref<64x128xf32, #tpu.memory_space<vmem>>, vector<16xf32>,
          %mul3A_313 = arith.mulf %get3A_312, %gather3A_306 : vector<16xf32>
          %add3A_314 = arith.addf %get3A_309, %mul3A_313 : vector<16xf32>
          %swap3A_315 = arith.index_cast %squeeze3A : i32 to index
          %swap3A_316 = arith.constant 64 : index
          %swap3A_317 = tpu.vector_load %arg10[%swap3A_315, %swap3A_316] {strides = array<i32>} : memref<320x128xf32, #tpu.memory_space<vmem>>, vector<16xf32>,
          tpu.vector_store %arg10[%swap3A_315, %swap3A_316], %add3A_314 {strides = array<i32>} : memref<320x128xf32, #tpu.memory_space<vmem>>, vector<16xf32>,
          %mul3A_318 = arith.constant 16 : i32
          %mul3A_319 = arith.muli %while3A_196, %mul3A_318 : i32
          %add3A_320 = arith.constant 2 : i32
          %add3A_321 = arith.addi %mul3A_319, %add3A_320 : i32
          %broadcast_in_dim3A_322 = vector.broadcast %add3A_321 : i32 to vector<16xi32>
          %gather3A_323 = tpu.vector_load_idx %arg21[%broadcast_in_dim3A_322] : memref<1024xf32, #tpu.memory_space<vmem>>[vector<16xi32>], vector<16xf32>,
          %get3A_324 = arith.index_cast %squeeze3A : i32 to index
          %get3A_325 = arith.constant 80 : index
          %get3A_326 = tpu.vector_load %arg10[%get3A_324, %get3A_325] {strides = array<i32>} : memref<320x128xf32, #tpu.memory_space<vmem>>, vector<16xf32>,
          %get3A_327 = arith.index_cast %while3A_196 : i32 to index
          %get3A_328 = arith.constant 80 : index
          %get3A_329 = tpu.vector_load %arg20[%get3A_327, %get3A_328] {strides = array<i32>} : memref<64x128xf32, #tpu.memory_space<vmem>>, vector<16xf32>,
          %mul3A_330 = arith.mulf %get3A_329, %gather3A_323 : vector<16xf32>
          %add3A_331 = arith.addf %get3A_326, %mul3A_330 : vector<16xf32>
          %swap3A_332 = arith.index_cast %squeeze3A : i32 to index
          %swap3A_333 = arith.constant 80 : index
          %swap3A_334 = tpu.vector_load %arg10[%swap3A_332, %swap3A_333] {strides = array<i32>} : memref<320x128xf32, #tpu.memory_space<vmem>>, vector<16xf32>,
          tpu.vector_store %arg10[%swap3A_332, %swap3A_333], %add3A_331 {strides = array<i32>} : memref<320x128xf32, #tpu.memory_space<vmem>>, vector<16xf32>,
          %mul3A_335 = arith.constant 16 : i32
          %mul3A_336 = arith.muli %while3A_196, %mul3A_335 : i32
          %add3A_337 = arith.constant 3 : i32
          %add3A_338 = arith.addi %mul3A_336, %add3A_337 : i32
          %broadcast_in_dim3A_339 = vector.broadcast %add3A_338 : i32 to vector<16xi32>
          %gather3A_340 = tpu.vector_load_idx %arg21[%broadcast_in_dim3A_339] : memref<1024xf32, #tpu.memory_space<vmem>>[vector<16xi32>], vector<16xf32>,
          %get3A_341 = arith.index_cast %squeeze3A : i32 to index
          %get3A_342 = arith.constant 96 : index
          %get3A_343 = tpu.vector_load %arg10[%get3A_341, %get3A_342] {strides = array<i32>} : memref<320x128xf32, #tpu.memory_space<vmem>>, vector<16xf32>,
          %get3A_344 = arith.index_cast %while3A_196 : i32 to index
          %get3A_345 = arith.constant 96 : index
          %get3A_346 = tpu.vector_load %arg20[%get3A_344, %get3A_345] {strides = array<i32>} : memref<64x128xf32, #tpu.memory_space<vmem>>, vector<16xf32>,
          %mul3A_347 = arith.mulf %get3A_346, %gather3A_340 : vector<16xf32>
          %add3A_348 = arith.addf %get3A_343, %mul3A_347 : vector<16xf32>
          %swap3A_349 = arith.index_cast %squeeze3A : i32 to index
          %swap3A_350 = arith.constant 96 : index
          %swap3A_351 = tpu.vector_load %arg10[%swap3A_349, %swap3A_350] {strides = array<i32>} : memref<320x128xf32, #tpu.memory_space<vmem>>, vector<16xf32>,
          tpu.vector_store %arg10[%swap3A_349, %swap3A_350], %add3A_348 {strides = array<i32>} : memref<320x128xf32, #tpu.memory_space<vmem>>, vector<16xf32>,
          %mul3A_352 = arith.constant 16 : i32
          %mul3A_353 = arith.muli %while3A_196, %mul3A_352 : i32
          %add3A_354 = arith.constant 3 : i32
          %add3A_355 = arith.addi %mul3A_353, %add3A_354 : i32
          %broadcast_in_dim3A_356 = vector.broadcast %add3A_355 : i32 to vector<16xi32>
          %gather3A_357 = tpu.vector_load_idx %arg21[%broadcast_in_dim3A_356] : memref<1024xf32, #tpu.memory_space<vmem>>[vector<16xi32>], vector<16xf32>,
          %get3A_358 = arith.index_cast %squeeze3A : i32 to index
          %get3A_359 = arith.constant 112 : index
          %get3A_360 = tpu.vector_load %arg10[%get3A_358, %get3A_359] {strides = array<i32>} : memref<320x128xf32, #tpu.memory_space<vmem>>, vector<16xf32>,
          %get3A_361 = arith.index_cast %while3A_196 : i32 to index
          %get3A_362 = arith.constant 112 : index
          %get3A_363 = tpu.vector_load %arg20[%get3A_361, %get3A_362] {strides = array<i32>} : memref<64x128xf32, #tpu.memory_space<vmem>>, vector<16xf32>,
          %mul3A_364 = arith.mulf %get3A_363, %gather3A_357 : vector<16xf32>
          %add3A_365 = arith.addf %get3A_360, %mul3A_364 : vector<16xf32>
          %swap3A_366 = arith.index_cast %squeeze3A : i32 to index
          %swap3A_367 = arith.constant 112 : index
          %swap3A_368 = tpu.vector_load %arg10[%swap3A_366, %swap3A_367] {strides = array<i32>} : memref<320x128xf32, #tpu.memory_space<vmem>>, vector<16xf32>,
          tpu.vector_store %arg10[%swap3A_366, %swap3A_367], %add3A_365 {strides = array<i32>} : memref<320x128xf32, #tpu.memory_space<vmem>>, vector<16xf32>,
        }
      }
      %while3A_71 = arith.constant 1 : i32
      scf.for %while3A_72 = %while3A_69 to %while3A_65 step %while3A_71  : i32 {
        %mul3A_73 = arith.constant 64 : i32
        %mul3A_74 = arith.muli %while3A_72, %mul3A_73 : i32
        %add3A_75 = arith.constant 0 : i32
        %add3A_76 = arith.addi %mul3A_74, %add3A_75 : i32
        %get3A = arith.index_cast %add3A_76 : i32 to index
        %get3A_77 = tpu.vector_load %arg14[%get3A] {strides = array<i32>} : memref<4064xi32, #tpu.memory_space<vmem>>, vector<16xi32>,
        %sub3A_78 = vector.broadcast %mul3A_33 : i32 to vector<16xi32>
        %sub3A_79 = arith.subi %get3A_77, %sub3A_78 : vector<16xi32>
        %jit3A_80 = arith.constant 0 : i32
        %jit3A_81 = arith.constant 3999 : i32
        %max3A = vector.broadcast %jit3A_80 : i32 to vector<16xi32>
        %max3A_82 = arith.maxsi %max3A, %sub3A_79 : vector<16xi32>
        %min3A_83 = vector.broadcast %jit3A_81 : i32 to vector<16xi32>
        %min3A_84 = arith.minsi %min3A_83, %max3A_82 : vector<16xi32>
        %gather3A = tpu.vector_load_idx %arg13[%min3A_84] : memref<4000xi32, #tpu.memory_space<vmem>>[vector<16xi32>], vector<16xi32>,
        %gather3A_85 = tpu.vector_load_idx %arg12[%min3A_84] : memref<4000xi32, #tpu.memory_space<vmem>>[vector<16xi32>], vector<16xi32>,
        %swap3A = arith.constant 0 : index
        %swap3A_86 = tpu.vector_load %arg15[%swap3A] {strides = array<i32>} : memref<64xi32, #tpu.memory_space<vmem>>, vector<16xi32>,
        tpu.vector_store %arg15[%swap3A], %gather3A {strides = array<i32>} : memref<64xi32, #tpu.memory_space<vmem>>, vector<16xi32>,
        %swap3A_87 = arith.constant 0 : index
        %swap3A_88 = tpu.vector_load %arg16[%swap3A_87] {strides = array<i32>} : memref<64xi32, #tpu.memory_space<vmem>>, vector<16xi32>,
        tpu.vector_store %arg16[%swap3A_87], %gather3A_85 {strides = array<i32>} : memref<64xi32, #tpu.memory_space<vmem>>, vector<16xi32>,
        %sub3A_89 = vector.broadcast %add3A_6 : i32 to vector<16xi32>
        %sub3A_90 = arith.subi %gather3A_85, %sub3A_89 : vector<16xi32>
        %swap3A_91 = arith.constant 0 : index
        %swap3A_92 = tpu.vector_load %arg22[%swap3A_91] {strides = array<i32>} : memref<80xi32, #tpu.memory_space<vmem>>, vector<16xi32>,
        tpu.vector_store %arg22[%swap3A_91], %sub3A_90 {strides = array<i32>} : memref<80xi32, #tpu.memory_space<vmem>>, vector<16xi32>,
        %add3A_93 = arith.constant 16 : i32
        %add3A_94 = arith.addi %mul3A_74, %add3A_93 : i32
        %get3A_95 = arith.index_cast %add3A_94 : i32 to index
        %get3A_96 = tpu.vector_load %arg14[%get3A_95] {strides = array<i32>} : memref<4064xi32, #tpu.memory_space<vmem>>, vector<16xi32>,
        %sub3A_97 = vector.broadcast %mul3A_33 : i32 to vector<16xi32>
        %sub3A_98 = arith.subi %get3A_96, %sub3A_97 : vector<16xi32>
        %jit3A_99 = arith.constant 0 : i32
        %jit3A_100 = arith.constant 3999 : i32
        %max3A_101 = vector.broadcast %jit3A_99 : i32 to vector<16xi32>
        %max3A_102 = arith.maxsi %max3A_101, %sub3A_98 : vector<16xi32>
        %min3A_103 = vector.broadcast %jit3A_100 : i32 to vector<16xi32>
        %min3A_104 = arith.minsi %min3A_103, %max3A_102 : vector<16xi32>
        %gather3A_105 = tpu.vector_load_idx %arg13[%min3A_104] : memref<4000xi32, #tpu.memory_space<vmem>>[vector<16xi32>], vector<16xi32>,
        %gather3A_106 = tpu.vector_load_idx %arg12[%min3A_104] : memref<4000xi32, #tpu.memory_space<vmem>>[vector<16xi32>], vector<16xi32>,
        %swap3A_107 = arith.constant 16 : index
        %swap3A_108 = tpu.vector_load %arg15[%swap3A_107] {strides = array<i32>} : memref<64xi32, #tpu.memory_space<vmem>>, vector<16xi32>,
        tpu.vector_store %arg15[%swap3A_107], %gather3A_105 {strides = array<i32>} : memref<64xi32, #tpu.memory_space<vmem>>, vector<16xi32>,
        %swap3A_109 = arith.constant 16 : index
        %swap3A_110 = tpu.vector_load %arg16[%swap3A_109] {strides = array<i32>} : memref<64xi32, #tpu.memory_space<vmem>>, vector<16xi32>,
        tpu.vector_store %arg16[%swap3A_109], %gather3A_106 {strides = array<i32>} : memref<64xi32, #tpu.memory_space<vmem>>, vector<16xi32>,
        %sub3A_111 = vector.broadcast %add3A_6 : i32 to vector<16xi32>
        %sub3A_112 = arith.subi %gather3A_106, %sub3A_111 : vector<16xi32>
        %swap3A_113 = arith.constant 16 : index
        %swap3A_114 = tpu.vector_load %arg22[%swap3A_113] {strides = array<i32>} : memref<80xi32, #tpu.memory_space<vmem>>, vector<16xi32>,
        tpu.vector_store %arg22[%swap3A_113], %sub3A_112 {strides = array<i32>} : memref<80xi32, #tpu.memory_space<vmem>>, vector<16xi32>,
        %add3A_115 = arith.constant 32 : i32
        %add3A_116 = arith.addi %mul3A_74, %add3A_115 : i32
        %get3A_117 = arith.index_cast %add3A_116 : i32 to index
        %get3A_118 = tpu.vector_load %arg14[%get3A_117] {strides = array<i32>} : memref<4064xi32, #tpu.memory_space<vmem>>, vector<16xi32>,
        %sub3A_119 = vector.broadcast %mul3A_33 : i32 to vector<16xi32>
        %sub3A_120 = arith.subi %get3A_118, %sub3A_119 : vector<16xi32>
        %jit3A_121 = arith.constant 0 : i32
        %jit3A_122 = arith.constant 3999 : i32
        %max3A_123 = vector.broadcast %jit3A_121 : i32 to vector<16xi32>
        %max3A_124 = arith.maxsi %max3A_123, %sub3A_120 : vector<16xi32>
        %min3A_125 = vector.broadcast %jit3A_122 : i32 to vector<16xi32>
        %min3A_126 = arith.minsi %min3A_125, %max3A_124 : vector<16xi32>
        %gather3A_127 = tpu.vector_load_idx %arg13[%min3A_126] : memref<4000xi32, #tpu.memory_space<vmem>>[vector<16xi32>], vector<16xi32>,
        %gather3A_128 = tpu.vector_load_idx %arg12[%min3A_126] : memref<4000xi32, #tpu.memory_space<vmem>>[vector<16xi32>], vector<16xi32>,
        %swap3A_129 = arith.constant 32 : index
        %swap3A_130 = tpu.vector_load %arg15[%swap3A_129] {strides = array<i32>} : memref<64xi32, #tpu.memory_space<vmem>>, vector<16xi32>,
        tpu.vector_store %arg15[%swap3A_129], %gather3A_127 {strides = array<i32>} : memref<64xi32, #tpu.memory_space<vmem>>, vector<16xi32>,
        %swap3A_131 = arith.constant 32 : index
        %swap3A_132 = tpu.vector_load %arg16[%swap3A_131] {strides = array<i32>} : memref<64xi32, #tpu.memory_space<vmem>>, vector<16xi32>,
        tpu.vector_store %arg16[%swap3A_131], %gather3A_128 {strides = array<i32>} : memref<64xi32, #tpu.memory_space<vmem>>, vector<16xi32>,
        %sub3A_133 = vector.broadcast %add3A_6 : i32 to vector<16xi32>
        %sub3A_134 = arith.subi %gather3A_128, %sub3A_133 : vector<16xi32>
        %swap3A_135 = arith.constant 32 : index
        %swap3A_136 = tpu.vector_load %arg22[%swap3A_135] {strides = array<i32>} : memref<80xi32, #tpu.memory_space<vmem>>, vector<16xi32>,
        tpu.vector_store %arg22[%swap3A_135], %sub3A_134 {strides = array<i32>} : memref<80xi32, #tpu.memory_space<vmem>>, vector<16xi32>,
        %add3A_137 = arith.constant 48 : i32
        %add3A_138 = arith.addi %mul3A_74, %add3A_137 : i32
        %get3A_139 = arith.index_cast %add3A_138 : i32 to index
        %get3A_140 = tpu.vector_load %arg14[%get3A_139] {strides = array<i32>} : memref<4064xi32, #tpu.memory_space<vmem>>, vector<16xi32>,
        %sub3A_141 = vector.broadcast %mul3A_33 : i32 to vector<16xi32>
        %sub3A_142 = arith.subi %get3A_140, %sub3A_141 : vector<16xi32>
        %jit3A_143 = arith.constant 0 : i32
        %jit3A_144 = arith.constant 3999 : i32
        %max3A_145 = vector.broadcast %jit3A_143 : i32 to vector<16xi32>
        %max3A_146 = arith.maxsi %max3A_145, %sub3A_142 : vector<16xi32>
        %min3A_147 = vector.broadcast %jit3A_144 : i32 to vector<16xi32>
        %min3A_148 = arith.minsi %min3A_147, %max3A_146 : vector<16xi32>
        %gather3A_149 = tpu.vector_load_idx %arg13[%min3A_148] : memref<4000xi32, #tpu.memory_space<vmem>>[vector<16xi32>], vector<16xi32>,
        %gather3A_150 = tpu.vector_load_idx %arg12[%min3A_148] : memref<4000xi32, #tpu.memory_space<vmem>>[vector<16xi32>], vector<16xi32>,
        %swap3A_151 = arith.constant 48 : index
        %swap3A_152 = tpu.vector_load %arg15[%swap3A_151] {strides = array<i32>} : memref<64xi32, #tpu.memory_space<vmem>>, vector<16xi32>,
        tpu.vector_store %arg15[%swap3A_151], %gather3A_149 {strides = array<i32>} : memref<64xi32, #tpu.memory_space<vmem>>, vector<16xi32>,
        %swap3A_153 = arith.constant 48 : index
        %swap3A_154 = tpu.vector_load %arg16[%swap3A_153] {strides = array<i32>} : memref<64xi32, #tpu.memory_space<vmem>>, vector<16xi32>,
        tpu.vector_store %arg16[%swap3A_153], %gather3A_150 {strides = array<i32>} : memref<64xi32, #tpu.memory_space<vmem>>, vector<16xi32>,
        %sub3A_155 = vector.broadcast %add3A_6 : i32 to vector<16xi32>
        %sub3A_156 = arith.subi %gather3A_150, %sub3A_155 : vector<16xi32>
        %swap3A_157 = arith.constant 48 : index
        %swap3A_158 = tpu.vector_load %arg22[%swap3A_157] {strides = array<i32>} : memref<80xi32, #tpu.memory_space<vmem>>, vector<16xi32>,
        tpu.vector_store %arg22[%swap3A_157], %sub3A_156 {strides = array<i32>} : memref<80xi32, #tpu.memory_space<vmem>>, vector<16xi32>,
        %dma_start3A = tpu.memref_slice %arg14[%mul3A_74] : memref<4064xi32, #tpu.memory_space<vmem>> -> memref<64xi32, #tpu.memory_space<vmem>>
        %dma_start3A_159 = arith.constant 0 : i32
        %dma_start3A_160 = arith.constant 0 : i32
        %dma_start3A_161 = tpu.memref_slice %arg6[%dma_start3A_159, %dma_start3A_160] : memref<320000x16xf32, #tpu.memory_space<hbm>> -> memref<320000x16xf32, #tpu.memory_space<hbm>>
        tpu.enqueue_indirect_dma source(%dma_start3A_161 : memref<320000x16xf32, #tpu.memory_space<hbm>>) target(%arg19 : memref<64x16xf32, #tpu.memory_space<vmem>>) offsets(%dma_start3A : memref<64xi32, #tpu.memory_space<vmem>>) semaphore(%arg24 : memref<!tpu.dma_semaphore, #tpu.memory_space<semaphore_mem>>)
        %dma_start3A_162 = arith.constant 0 : i32
        %dma_start3A_163 = arith.constant 0 : i32
        %dma_start3A_164 = tpu.memref_slice %arg4[%dma_start3A_162, %dma_start3A_163] : memref<10000x16xf32, #tpu.memory_space<hbm>> -> memref<10000x16xf32, #tpu.memory_space<hbm>>
        tpu.enqueue_indirect_dma source(%dma_start3A_164 : memref<10000x16xf32, #tpu.memory_space<hbm>>) target(%arg17 : memref<64x16xf32, #tpu.memory_space<vmem>>) offsets(%arg15 : memref<64xi32, #tpu.memory_space<vmem>>) semaphore(%arg24 : memref<!tpu.dma_semaphore, #tpu.memory_space<semaphore_mem>>)
        %dma_start3A_165 = arith.constant 0 : i32
        %dma_start3A_166 = arith.constant 0 : i32
        %dma_start3A_167 = tpu.memref_slice %arg5[%dma_start3A_165, %dma_start3A_166] : memref<10000x16xf32, #tpu.memory_space<hbm>> -> memref<10000x16xf32, #tpu.memory_space<hbm>>
        tpu.enqueue_indirect_dma source(%dma_start3A_167 : memref<10000x16xf32, #tpu.memory_space<hbm>>) target(%arg18 : memref<64x16xf32, #tpu.memory_space<vmem>>) offsets(%arg16 : memref<64xi32, #tpu.memory_space<vmem>>) semaphore(%arg24 : memref<!tpu.dma_semaphore, #tpu.memory_space<semaphore_mem>>)
        %dma_start3A_168 = arith.constant 0 : i32
        %dma_start3A_169 = arith.constant 0 : i32
        %dma_start3A_170 = tpu.memref_slice %arg7[%dma_start3A_168, %dma_start3A_169] : memref<10000x128xf32, #tpu.memory_space<hbm>> -> memref<10000x128xf32, #tpu.memory_space<hbm>>
        tpu.enqueue_indirect_dma source(%dma_start3A_170 : memref<10000x128xf32, #tpu.memory_space<hbm>>) target(%arg20 : memref<64x128xf32, #tpu.memory_space<vmem>>) offsets(%arg15 : memref<64xi32, #tpu.memory_space<vmem>>) semaphore(%arg24 : memref<!tpu.dma_semaphore, #tpu.memory_space<semaphore_mem>>)
        %dma_wait3A = tpu.memref_slice %arg14[%mul3A_74] : memref<4064xi32, #tpu.memory_space<vmem>> -> memref<64xi32, #tpu.memory_space<vmem>>
        %dma_wait3A_171 = arith.constant 0 : i32
        %dma_wait3A_172 = arith.constant 0 : i32
        %dma_wait3A_173 = tpu.memref_slice %arg6[%dma_wait3A_171, %dma_wait3A_172] : memref<320000x16xf32, #tpu.memory_space<hbm>> -> memref<320000x16xf32, #tpu.memory_space<hbm>>
        tpu.wait_indirect_dma semaphore(%arg24 : memref<!tpu.dma_semaphore, #tpu.memory_space<semaphore_mem>>) src(%dma_wait3A_173 : memref<320000x16xf32, #tpu.memory_space<hbm>>) dst(%arg19 : memref<64x16xf32, #tpu.memory_space<vmem>>)
        %dma_wait3A_174 = arith.constant 0 : i32
        %dma_wait3A_175 = arith.constant 0 : i32
        %dma_wait3A_176 = tpu.memref_slice %arg4[%dma_wait3A_174, %dma_wait3A_175] : memref<10000x16xf32, #tpu.memory_space<hbm>> -> memref<10000x16xf32, #tpu.memory_space<hbm>>
        tpu.wait_indirect_dma semaphore(%arg24 : memref<!tpu.dma_semaphore, #tpu.memory_space<semaphore_mem>>) src(%dma_wait3A_176 : memref<10000x16xf32, #tpu.memory_space<hbm>>) dst(%arg17 : memref<64x16xf32, #tpu.memory_space<vmem>>)
        %dma_wait3A_177 = arith.constant 0 : i32
        %dma_wait3A_178 = arith.constant 0 : i32
        %dma_wait3A_179 = tpu.memref_slice %arg5[%dma_wait3A_177, %dma_wait3A_178] : memref<10000x16xf32, #tpu.memory_space<hbm>> -> memref<10000x16xf32, #tpu.memory_space<hbm>>
        tpu.wait_indirect_dma semaphore(%arg24 : memref<!tpu.dma_semaphore, #tpu.memory_space<semaphore_mem>>) src(%dma_wait3A_179 : memref<10000x16xf32, #tpu.memory_space<hbm>>) dst(%arg18 : memref<64x16xf32, #tpu.memory_space<vmem>>)
        %dma_wait3A_180 = arith.constant 0 : i32
        %dma_wait3A_181 = arith.constant 0 : i32
        %dma_wait3A_182 = tpu.memref_slice %arg7[%dma_wait3A_180, %dma_wait3A_181] : memref<10000x128xf32, #tpu.memory_space<hbm>> -> memref<10000x128xf32, #tpu.memory_space<hbm>>
        tpu.wait_indirect_dma semaphore(%arg24 : memref<!tpu.dma_semaphore, #tpu.memory_space<semaphore_mem>>) src(%dma_wait3A_182 : memref<10000x128xf32, #tpu.memory_space<hbm>>) dst(%arg20 : memref<64x128xf32, #tpu.memory_space<vmem>>)
        %sub3A_183 = arith.subi %scan3A_39, %mul3A_74 : i32
        %min3A_184 = arith.constant 64 : i32
        %min3A_185 = arith.minsi %sub3A_183, %min3A_184 : i32
        %while3A_186 = arith.constant 0 : i32
        %while3A_187 = arith.constant 0 : i32
        %while3A_188 = arith.subi %min3A_185, %while3A_187 : i32
        %while3A_189 = arith.addi %while3A_187, %while3A_188 : i32
        %while3A_190 = arith.constant 1 : i32
        %while3A_191 = arith.divsi %while3A_188, %while3A_190 : i32
        %while3A_192 = arith.muli %while3A_191, %while3A_190 : i32
        %while3A_193 = arith.addi %while3A_187, %while3A_192 : i32
        %while3A_194 = arith.constant 1 : i32
        scf.for %while3A_196 = %while3A_187 to %while3A_193 step %while3A_194  : i32 {
          %get3A_197 = arith.index_cast %while3A_196 : i32 to index
          %get3A_198 = arith.constant 0 : index
          %get3A_199 = tpu.vector_load %arg17[%get3A_197, %get3A_198] {strides = array<i32>} : memref<64x16xf32, #tpu.memory_space<vmem>>, vector<16xf32>,
          %get3A_200 = arith.index_cast %while3A_196 : i32 to index
          %get3A_201 = arith.constant 0 : index
          %get3A_202 = tpu.vector_load %arg18[%get3A_200, %get3A_201] {strides = array<i32>} : memref<64x16xf32, #tpu.memory_space<vmem>>, vector<16xf32>,
          %add3A_203 = arith.addf %get3A_199, %get3A_202 : vector<16xf32>
          %get3A_204 = arith.index_cast %while3A_196 : i32 to index
          %get3A_205 = arith.constant 0 : index
          %get3A_206 = tpu.vector_load %arg19[%get3A_204, %get3A_205] {strides = array<i32>} : memref<64x16xf32, #tpu.memory_space<vmem>>, vector<16xf32>,
          %add3A_207 = arith.addf %add3A_203, %get3A_206 : vector<16xf32>
          %gt3A = arith.constant 0.000000e+00 : f32
          %gt3A_208 = vector.broadcast %gt3A : f32 to vector<16xf32>
          %gt3A_209 = arith.cmpf ogt, %add3A_207, %gt3A_208 : vector<16xf32>
          %mul3A_210 = arith.constant 2.000000e-01 : f32
          %mul3A_211 = vector.broadcast %mul3A_210 : f32 to vector<16xf32>
          %mul3A_212 = arith.mulf %mul3A_211, %add3A_207 : vector<16xf32>
          %select_n3A_213 = arith.select %gt3A_209, %add3A_207, %mul3A_212 : vector<16xi1>, vector<16xf32>
          %lt3A_214 = arith.constant 4 : i32
          %lt3A_215 = vector.broadcast %lt3A_214 : i32 to vector<16xi32>
          %lt3A_216 = arith.cmpi slt, %iota3A, %lt3A_215 : vector<16xi32>
          %exp3A = math.exp %select_n3A_213 : vector<16xf32>
          %jit3A_217 = arith.constant 0.000000e+00 : f32
          %broadcast_in_dim3A_218 = vector.broadcast %jit3A_217 : f32 to vector<16xf32>
          %select_n3A_219 = arith.select %lt3A_216, %exp3A, %broadcast_in_dim3A_218 : vector<16xi1>, vector<16xf32>
          %mul3A_220 = arith.constant 16 : i32
          %mul3A_221 = arith.muli %while3A_196, %mul3A_220 : i32
          %swap3A_222 = arith.index_cast %mul3A_221 : i32 to index
          %swap3A_223 = tpu.vector_load %arg21[%swap3A_222] {strides = array<i32>} : memref<1024xf32, #tpu.memory_space<vmem>>, vector<16xf32>,
          tpu.vector_store %arg21[%swap3A_222], %select_n3A_219 {strides = array<i32>} : memref<1024xf32, #tpu.memory_space<vmem>>, vector<16xf32>,
          %get3A_224 = arith.index_cast %while3A_196 : i32 to index
          %get3A_225 = tpu.vector_load %arg22[%get3A_224] {strides = array<i32>} : memref<80xi32, #tpu.memory_space<vmem>>, vector<16xi32>,
          %slice3A = vector.extract_strided_slice %get3A_225 {offsets = [0], sizes = [1], strides = [1]} : vector<16xi32> to vector<1xi32>
          %squeeze3A = vector.extract %slice3A[0] : i32 from vector<1xi32>
          %get3A_226 = arith.index_cast %squeeze3A : i32 to index
          %get3A_227 = arith.constant 0 : index
          %get3A_228 = tpu.vector_load %arg11[%get3A_226, %get3A_227] {strides = array<i32>} : memref<320x16xf32, #tpu.memory_space<vmem>>, vector<16xf32>,
          %add3A_229 = arith.addf %get3A_228, %select_n3A_219 : vector<16xf32>
          %swap3A_230 = arith.index_cast %squeeze3A : i32 to index
          %swap3A_231 = arith.constant 0 : index
          %swap3A_232 = tpu.vector_load %arg11[%swap3A_230, %swap3A_231] {strides = array<i32>} : memref<320x16xf32, #tpu.memory_space<vmem>>, vector<16xf32>,
          tpu.vector_store %arg11[%swap3A_230, %swap3A_231], %add3A_229 {strides = array<i32>} : memref<320x16xf32, #tpu.memory_space<vmem>>, vector<16xf32>,
          %mul3A_233 = arith.constant 16 : i32
          %mul3A_234 = arith.muli %while3A_196, %mul3A_233 : i32
          %add3A_235 = arith.constant 0 : i32
          %add3A_236 = arith.addi %mul3A_234, %add3A_235 : i32
          %broadcast_in_dim3A_237 = vector.broadcast %add3A_236 : i32 to vector<16xi32>
          %gather3A_238 = tpu.vector_load_idx %arg21[%broadcast_in_dim3A_237] : memref<1024xf32, #tpu.memory_space<vmem>>[vector<16xi32>], vector<16xf32>,
          %get3A_239 = arith.index_cast %squeeze3A : i32 to index
          %get3A_240 = arith.constant 0 : index
          %get3A_241 = tpu.vector_load %arg10[%get3A_239, %get3A_240] {strides = array<i32>} : memref<320x128xf32, #tpu.memory_space<vmem>>, vector<16xf32>,
          %get3A_242 = arith.index_cast %while3A_196 : i32 to index
          %get3A_243 = arith.constant 0 : index
          %get3A_244 = tpu.vector_load %arg20[%get3A_242, %get3A_243] {strides = array<i32>} : memref<64x128xf32, #tpu.memory_space<vmem>>, vector<16xf32>,
          %mul3A_245 = arith.mulf %get3A_244, %gather3A_238 : vector<16xf32>
          %add3A_246 = arith.addf %get3A_241, %mul3A_245 : vector<16xf32>
          %swap3A_247 = arith.index_cast %squeeze3A : i32 to index
          %swap3A_248 = arith.constant 0 : index
          %swap3A_249 = tpu.vector_load %arg10[%swap3A_247, %swap3A_248] {strides = array<i32>} : memref<320x128xf32, #tpu.memory_space<vmem>>, vector<16xf32>,
          tpu.vector_store %arg10[%swap3A_247, %swap3A_248], %add3A_246 {strides = array<i32>} : memref<320x128xf32, #tpu.memory_space<vmem>>, vector<16xf32>,
          %mul3A_250 = arith.constant 16 : i32
          %mul3A_251 = arith.muli %while3A_196, %mul3A_250 : i32
          %add3A_252 = arith.constant 0 : i32
          %add3A_253 = arith.addi %mul3A_251, %add3A_252 : i32
          %broadcast_in_dim3A_254 = vector.broadcast %add3A_253 : i32 to vector<16xi32>
          %gather3A_255 = tpu.vector_load_idx %arg21[%broadcast_in_dim3A_254] : memref<1024xf32, #tpu.memory_space<vmem>>[vector<16xi32>], vector<16xf32>,
          %get3A_256 = arith.index_cast %squeeze3A : i32 to index
          %get3A_257 = arith.constant 16 : index
          %get3A_258 = tpu.vector_load %arg10[%get3A_256, %get3A_257] {strides = array<i32>} : memref<320x128xf32, #tpu.memory_space<vmem>>, vector<16xf32>,
          %get3A_259 = arith.index_cast %while3A_196 : i32 to index
          %get3A_260 = arith.constant 16 : index
          %get3A_261 = tpu.vector_load %arg20[%get3A_259, %get3A_260] {strides = array<i32>} : memref<64x128xf32, #tpu.memory_space<vmem>>, vector<16xf32>,
          %mul3A_262 = arith.mulf %get3A_261, %gather3A_255 : vector<16xf32>
          %add3A_263 = arith.addf %get3A_258, %mul3A_262 : vector<16xf32>
          %swap3A_264 = arith.index_cast %squeeze3A : i32 to index
          %swap3A_265 = arith.constant 16 : index
          %swap3A_266 = tpu.vector_load %arg10[%swap3A_264, %swap3A_265] {strides = array<i32>} : memref<320x128xf32, #tpu.memory_space<vmem>>, vector<16xf32>,
          tpu.vector_store %arg10[%swap3A_264, %swap3A_265], %add3A_263 {strides = array<i32>} : memref<320x128xf32, #tpu.memory_space<vmem>>, vector<16xf32>,
          %mul3A_267 = arith.constant 16 : i32
          %mul3A_268 = arith.muli %while3A_196, %mul3A_267 : i32
          %add3A_269 = arith.constant 1 : i32
          %add3A_270 = arith.addi %mul3A_268, %add3A_269 : i32
          %broadcast_in_dim3A_271 = vector.broadcast %add3A_270 : i32 to vector<16xi32>
          %gather3A_272 = tpu.vector_load_idx %arg21[%broadcast_in_dim3A_271] : memref<1024xf32, #tpu.memory_space<vmem>>[vector<16xi32>], vector<16xf32>,
          %get3A_273 = arith.index_cast %squeeze3A : i32 to index
          %get3A_274 = arith.constant 32 : index
          %get3A_275 = tpu.vector_load %arg10[%get3A_273, %get3A_274] {strides = array<i32>} : memref<320x128xf32, #tpu.memory_space<vmem>>, vector<16xf32>,
          %get3A_276 = arith.index_cast %while3A_196 : i32 to index
          %get3A_277 = arith.constant 32 : index
          %get3A_278 = tpu.vector_load %arg20[%get3A_276, %get3A_277] {strides = array<i32>} : memref<64x128xf32, #tpu.memory_space<vmem>>, vector<16xf32>,
          %mul3A_279 = arith.mulf %get3A_278, %gather3A_272 : vector<16xf32>
          %add3A_280 = arith.addf %get3A_275, %mul3A_279 : vector<16xf32>
          %swap3A_281 = arith.index_cast %squeeze3A : i32 to index
          %swap3A_282 = arith.constant 32 : index
          %swap3A_283 = tpu.vector_load %arg10[%swap3A_281, %swap3A_282] {strides = array<i32>} : memref<320x128xf32, #tpu.memory_space<vmem>>, vector<16xf32>,
          tpu.vector_store %arg10[%swap3A_281, %swap3A_282], %add3A_280 {strides = array<i32>} : memref<320x128xf32, #tpu.memory_space<vmem>>, vector<16xf32>,
          %mul3A_284 = arith.constant 16 : i32
          %mul3A_285 = arith.muli %while3A_196, %mul3A_284 : i32
          %add3A_286 = arith.constant 1 : i32
          %add3A_287 = arith.addi %mul3A_285, %add3A_286 : i32
          %broadcast_in_dim3A_288 = vector.broadcast %add3A_287 : i32 to vector<16xi32>
          %gather3A_289 = tpu.vector_load_idx %arg21[%broadcast_in_dim3A_288] : memref<1024xf32, #tpu.memory_space<vmem>>[vector<16xi32>], vector<16xf32>,
          %get3A_290 = arith.index_cast %squeeze3A : i32 to index
          %get3A_291 = arith.constant 48 : index
          %get3A_292 = tpu.vector_load %arg10[%get3A_290, %get3A_291] {strides = array<i32>} : memref<320x128xf32, #tpu.memory_space<vmem>>, vector<16xf32>,
          %get3A_293 = arith.index_cast %while3A_196 : i32 to index
          %get3A_294 = arith.constant 48 : index
          %get3A_295 = tpu.vector_load %arg20[%get3A_293, %get3A_294] {strides = array<i32>} : memref<64x128xf32, #tpu.memory_space<vmem>>, vector<16xf32>,
          %mul3A_296 = arith.mulf %get3A_295, %gather3A_289 : vector<16xf32>
          %add3A_297 = arith.addf %get3A_292, %mul3A_296 : vector<16xf32>
          %swap3A_298 = arith.index_cast %squeeze3A : i32 to index
          %swap3A_299 = arith.constant 48 : index
          %swap3A_300 = tpu.vector_load %arg10[%swap3A_298, %swap3A_299] {strides = array<i32>} : memref<320x128xf32, #tpu.memory_space<vmem>>, vector<16xf32>,
          tpu.vector_store %arg10[%swap3A_298, %swap3A_299], %add3A_297 {strides = array<i32>} : memref<320x128xf32, #tpu.memory_space<vmem>>, vector<16xf32>,
          %mul3A_301 = arith.constant 16 : i32
          %mul3A_302 = arith.muli %while3A_196, %mul3A_301 : i32
          %add3A_303 = arith.constant 2 : i32
          %add3A_304 = arith.addi %mul3A_302, %add3A_303 : i32
          %broadcast_in_dim3A_305 = vector.broadcast %add3A_304 : i32 to vector<16xi32>
          %gather3A_306 = tpu.vector_load_idx %arg21[%broadcast_in_dim3A_305] : memref<1024xf32, #tpu.memory_space<vmem>>[vector<16xi32>], vector<16xf32>,
          %get3A_307 = arith.index_cast %squeeze3A : i32 to index
          %get3A_308 = arith.constant 64 : index
          %get3A_309 = tpu.vector_load %arg10[%get3A_307, %get3A_308] {strides = array<i32>} : memref<320x128xf32, #tpu.memory_space<vmem>>, vector<16xf32>,
          %get3A_310 = arith.index_cast %while3A_196 : i32 to index
          %get3A_311 = arith.constant 64 : index
          %get3A_312 = tpu.vector_load %arg20[%get3A_310, %get3A_311] {strides = array<i32>} : memref<64x128xf32, #tpu.memory_space<vmem>>, vector<16xf32>,
          %mul3A_313 = arith.mulf %get3A_312, %gather3A_306 : vector<16xf32>
          %add3A_314 = arith.addf %get3A_309, %mul3A_313 : vector<16xf32>
          %swap3A_315 = arith.index_cast %squeeze3A : i32 to index
          %swap3A_316 = arith.constant 64 : index
          %swap3A_317 = tpu.vector_load %arg10[%swap3A_315, %swap3A_316] {strides = array<i32>} : memref<320x128xf32, #tpu.memory_space<vmem>>, vector<16xf32>,
          tpu.vector_store %arg10[%swap3A_315, %swap3A_316], %add3A_314 {strides = array<i32>} : memref<320x128xf32, #tpu.memory_space<vmem>>, vector<16xf32>,
          %mul3A_318 = arith.constant 16 : i32
          %mul3A_319 = arith.muli %while3A_196, %mul3A_318 : i32
          %add3A_320 = arith.constant 2 : i32
          %add3A_321 = arith.addi %mul3A_319, %add3A_320 : i32
          %broadcast_in_dim3A_322 = vector.broadcast %add3A_321 : i32 to vector<16xi32>
          %gather3A_323 = tpu.vector_load_idx %arg21[%broadcast_in_dim3A_322] : memref<1024xf32, #tpu.memory_space<vmem>>[vector<16xi32>], vector<16xf32>,
          %get3A_324 = arith.index_cast %squeeze3A : i32 to index
          %get3A_325 = arith.constant 80 : index
          %get3A_326 = tpu.vector_load %arg10[%get3A_324, %get3A_325] {strides = array<i32>} : memref<320x128xf32, #tpu.memory_space<vmem>>, vector<16xf32>,
          %get3A_327 = arith.index_cast %while3A_196 : i32 to index
          %get3A_328 = arith.constant 80 : index
          %get3A_329 = tpu.vector_load %arg20[%get3A_327, %get3A_328] {strides = array<i32>} : memref<64x128xf32, #tpu.memory_space<vmem>>, vector<16xf32>,
          %mul3A_330 = arith.mulf %get3A_329, %gather3A_323 : vector<16xf32>
          %add3A_331 = arith.addf %get3A_326, %mul3A_330 : vector<16xf32>
          %swap3A_332 = arith.index_cast %squeeze3A : i32 to index
          %swap3A_333 = arith.constant 80 : index
          %swap3A_334 = tpu.vector_load %arg10[%swap3A_332, %swap3A_333] {strides = array<i32>} : memref<320x128xf32, #tpu.memory_space<vmem>>, vector<16xf32>,
          tpu.vector_store %arg10[%swap3A_332, %swap3A_333], %add3A_331 {strides = array<i32>} : memref<320x128xf32, #tpu.memory_space<vmem>>, vector<16xf32>,
          %mul3A_335 = arith.constant 16 : i32
          %mul3A_336 = arith.muli %while3A_196, %mul3A_335 : i32
          %add3A_337 = arith.constant 3 : i32
          %add3A_338 = arith.addi %mul3A_336, %add3A_337 : i32
          %broadcast_in_dim3A_339 = vector.broadcast %add3A_338 : i32 to vector<16xi32>
          %gather3A_340 = tpu.vector_load_idx %arg21[%broadcast_in_dim3A_339] : memref<1024xf32, #tpu.memory_space<vmem>>[vector<16xi32>], vector<16xf32>,
          %get3A_341 = arith.index_cast %squeeze3A : i32 to index
          %get3A_342 = arith.constant 96 : index
          %get3A_343 = tpu.vector_load %arg10[%get3A_341, %get3A_342] {strides = array<i32>} : memref<320x128xf32, #tpu.memory_space<vmem>>, vector<16xf32>,
          %get3A_344 = arith.index_cast %while3A_196 : i32 to index
          %get3A_345 = arith.constant 96 : index
          %get3A_346 = tpu.vector_load %arg20[%get3A_344, %get3A_345] {strides = array<i32>} : memref<64x128xf32, #tpu.memory_space<vmem>>, vector<16xf32>,
          %mul3A_347 = arith.mulf %get3A_346, %gather3A_340 : vector<16xf32>
          %add3A_348 = arith.addf %get3A_343, %mul3A_347 : vector<16xf32>
          %swap3A_349 = arith.index_cast %squeeze3A : i32 to index
          %swap3A_350 = arith.constant 96 : index
          %swap3A_351 = tpu.vector_load %arg10[%swap3A_349, %swap3A_350] {strides = array<i32>} : memref<320x128xf32, #tpu.memory_space<vmem>>, vector<16xf32>,
          tpu.vector_store %arg10[%swap3A_349, %swap3A_350], %add3A_348 {strides = array<i32>} : memref<320x128xf32, #tpu.memory_space<vmem>>, vector<16xf32>,
          %mul3A_352 = arith.constant 16 : i32
          %mul3A_353 = arith.muli %while3A_196, %mul3A_352 : i32
          %add3A_354 = arith.constant 3 : i32
          %add3A_355 = arith.addi %mul3A_353, %add3A_354 : i32
          %broadcast_in_dim3A_356 = vector.broadcast %add3A_355 : i32 to vector<16xi32>
          %gather3A_357 = tpu.vector_load_idx %arg21[%broadcast_in_dim3A_356] : memref<1024xf32, #tpu.memory_space<vmem>>[vector<16xi32>], vector<16xf32>,
          %get3A_358 = arith.index_cast %squeeze3A : i32 to index
          %get3A_359 = arith.constant 112 : index
          %get3A_360 = tpu.vector_load %arg10[%get3A_358, %get3A_359] {strides = array<i32>} : memref<320x128xf32, #tpu.memory_space<vmem>>, vector<16xf32>,
          %get3A_361 = arith.index_cast %while3A_196 : i32 to index
          %get3A_362 = arith.constant 112 : index
          %get3A_363 = tpu.vector_load %arg20[%get3A_361, %get3A_362] {strides = array<i32>} : memref<64x128xf32, #tpu.memory_space<vmem>>, vector<16xf32>,
          %mul3A_364 = arith.mulf %get3A_363, %gather3A_357 : vector<16xf32>
          %add3A_365 = arith.addf %get3A_360, %mul3A_364 : vector<16xf32>
          %swap3A_366 = arith.index_cast %squeeze3A : i32 to index
          %swap3A_367 = arith.constant 112 : index
          %swap3A_368 = tpu.vector_load %arg10[%swap3A_366, %swap3A_367] {strides = array<i32>} : memref<320x128xf32, #tpu.memory_space<vmem>>, vector<16xf32>,
          tpu.vector_store %arg10[%swap3A_366, %swap3A_367], %add3A_365 {strides = array<i32>} : memref<320x128xf32, #tpu.memory_space<vmem>>, vector<16xf32>,
        }
        %while3A_195 = arith.constant 1 : i32
        scf.for %while3A_196 = %while3A_193 to %while3A_189 step %while3A_195  : i32 {
          %get3A_197 = arith.index_cast %while3A_196 : i32 to index
          %get3A_198 = arith.constant 0 : index
          %get3A_199 = tpu.vector_load %arg17[%get3A_197, %get3A_198] {strides = array<i32>} : memref<64x16xf32, #tpu.memory_space<vmem>>, vector<16xf32>,
          %get3A_200 = arith.index_cast %while3A_196 : i32 to index
          %get3A_201 = arith.constant 0 : index
          %get3A_202 = tpu.vector_load %arg18[%get3A_200, %get3A_201] {strides = array<i32>} : memref<64x16xf32, #tpu.memory_space<vmem>>, vector<16xf32>,
          %add3A_203 = arith.addf %get3A_199, %get3A_202 : vector<16xf32>
          %get3A_204 = arith.index_cast %while3A_196 : i32 to index
          %get3A_205 = arith.constant 0 : index
          %get3A_206 = tpu.vector_load %arg19[%get3A_204, %get3A_205] {strides = array<i32>} : memref<64x16xf32, #tpu.memory_space<vmem>>, vector<16xf32>,
          %add3A_207 = arith.addf %add3A_203, %get3A_206 : vector<16xf32>
          %gt3A = arith.constant 0.000000e+00 : f32
          %gt3A_208 = vector.broadcast %gt3A : f32 to vector<16xf32>
          %gt3A_209 = arith.cmpf ogt, %add3A_207, %gt3A_208 : vector<16xf32>
          %mul3A_210 = arith.constant 2.000000e-01 : f32
          %mul3A_211 = vector.broadcast %mul3A_210 : f32 to vector<16xf32>
          %mul3A_212 = arith.mulf %mul3A_211, %add3A_207 : vector<16xf32>
          %select_n3A_213 = arith.select %gt3A_209, %add3A_207, %mul3A_212 : vector<16xi1>, vector<16xf32>
          %lt3A_214 = arith.constant 4 : i32
          %lt3A_215 = vector.broadcast %lt3A_214 : i32 to vector<16xi32>
          %lt3A_216 = arith.cmpi slt, %iota3A, %lt3A_215 : vector<16xi32>
          %exp3A = math.exp %select_n3A_213 : vector<16xf32>
          %jit3A_217 = arith.constant 0.000000e+00 : f32
          %broadcast_in_dim3A_218 = vector.broadcast %jit3A_217 : f32 to vector<16xf32>
          %select_n3A_219 = arith.select %lt3A_216, %exp3A, %broadcast_in_dim3A_218 : vector<16xi1>, vector<16xf32>
          %mul3A_220 = arith.constant 16 : i32
          %mul3A_221 = arith.muli %while3A_196, %mul3A_220 : i32
          %swap3A_222 = arith.index_cast %mul3A_221 : i32 to index
          %swap3A_223 = tpu.vector_load %arg21[%swap3A_222] {strides = array<i32>} : memref<1024xf32, #tpu.memory_space<vmem>>, vector<16xf32>,
          tpu.vector_store %arg21[%swap3A_222], %select_n3A_219 {strides = array<i32>} : memref<1024xf32, #tpu.memory_space<vmem>>, vector<16xf32>,
          %get3A_224 = arith.index_cast %while3A_196 : i32 to index
          %get3A_225 = tpu.vector_load %arg22[%get3A_224] {strides = array<i32>} : memref<80xi32, #tpu.memory_space<vmem>>, vector<16xi32>,
          %slice3A = vector.extract_strided_slice %get3A_225 {offsets = [0], sizes = [1], strides = [1]} : vector<16xi32> to vector<1xi32>
          %squeeze3A = vector.extract %slice3A[0] : i32 from vector<1xi32>
          %get3A_226 = arith.index_cast %squeeze3A : i32 to index
          %get3A_227 = arith.constant 0 : index
          %get3A_228 = tpu.vector_load %arg11[%get3A_226, %get3A_227] {strides = array<i32>} : memref<320x16xf32, #tpu.memory_space<vmem>>, vector<16xf32>,
          %add3A_229 = arith.addf %get3A_228, %select_n3A_219 : vector<16xf32>
          %swap3A_230 = arith.index_cast %squeeze3A : i32 to index
          %swap3A_231 = arith.constant 0 : index
          %swap3A_232 = tpu.vector_load %arg11[%swap3A_230, %swap3A_231] {strides = array<i32>} : memref<320x16xf32, #tpu.memory_space<vmem>>, vector<16xf32>,
          tpu.vector_store %arg11[%swap3A_230, %swap3A_231], %add3A_229 {strides = array<i32>} : memref<320x16xf32, #tpu.memory_space<vmem>>, vector<16xf32>,
          %mul3A_233 = arith.constant 16 : i32
          %mul3A_234 = arith.muli %while3A_196, %mul3A_233 : i32
          %add3A_235 = arith.constant 0 : i32
          %add3A_236 = arith.addi %mul3A_234, %add3A_235 : i32
          %broadcast_in_dim3A_237 = vector.broadcast %add3A_236 : i32 to vector<16xi32>
          %gather3A_238 = tpu.vector_load_idx %arg21[%broadcast_in_dim3A_237] : memref<1024xf32, #tpu.memory_space<vmem>>[vector<16xi32>], vector<16xf32>,
          %get3A_239 = arith.index_cast %squeeze3A : i32 to index
          %get3A_240 = arith.constant 0 : index
          %get3A_241 = tpu.vector_load %arg10[%get3A_239, %get3A_240] {strides = array<i32>} : memref<320x128xf32, #tpu.memory_space<vmem>>, vector<16xf32>,
          %get3A_242 = arith.index_cast %while3A_196 : i32 to index
          %get3A_243 = arith.constant 0 : index
          %get3A_244 = tpu.vector_load %arg20[%get3A_242, %get3A_243] {strides = array<i32>} : memref<64x128xf32, #tpu.memory_space<vmem>>, vector<16xf32>,
          %mul3A_245 = arith.mulf %get3A_244, %gather3A_238 : vector<16xf32>
          %add3A_246 = arith.addf %get3A_241, %mul3A_245 : vector<16xf32>
          %swap3A_247 = arith.index_cast %squeeze3A : i32 to index
          %swap3A_248 = arith.constant 0 : index
          %swap3A_249 = tpu.vector_load %arg10[%swap3A_247, %swap3A_248] {strides = array<i32>} : memref<320x128xf32, #tpu.memory_space<vmem>>, vector<16xf32>,
          tpu.vector_store %arg10[%swap3A_247, %swap3A_248], %add3A_246 {strides = array<i32>} : memref<320x128xf32, #tpu.memory_space<vmem>>, vector<16xf32>,
          %mul3A_250 = arith.constant 16 : i32
          %mul3A_251 = arith.muli %while3A_196, %mul3A_250 : i32
          %add3A_252 = arith.constant 0 : i32
          %add3A_253 = arith.addi %mul3A_251, %add3A_252 : i32
          %broadcast_in_dim3A_254 = vector.broadcast %add3A_253 : i32 to vector<16xi32>
          %gather3A_255 = tpu.vector_load_idx %arg21[%broadcast_in_dim3A_254] : memref<1024xf32, #tpu.memory_space<vmem>>[vector<16xi32>], vector<16xf32>,
          %get3A_256 = arith.index_cast %squeeze3A : i32 to index
          %get3A_257 = arith.constant 16 : index
          %get3A_258 = tpu.vector_load %arg10[%get3A_256, %get3A_257] {strides = array<i32>} : memref<320x128xf32, #tpu.memory_space<vmem>>, vector<16xf32>,
          %get3A_259 = arith.index_cast %while3A_196 : i32 to index
          %get3A_260 = arith.constant 16 : index
          %get3A_261 = tpu.vector_load %arg20[%get3A_259, %get3A_260] {strides = array<i32>} : memref<64x128xf32, #tpu.memory_space<vmem>>, vector<16xf32>,
          %mul3A_262 = arith.mulf %get3A_261, %gather3A_255 : vector<16xf32>
          %add3A_263 = arith.addf %get3A_258, %mul3A_262 : vector<16xf32>
          %swap3A_264 = arith.index_cast %squeeze3A : i32 to index
          %swap3A_265 = arith.constant 16 : index
          %swap3A_266 = tpu.vector_load %arg10[%swap3A_264, %swap3A_265] {strides = array<i32>} : memref<320x128xf32, #tpu.memory_space<vmem>>, vector<16xf32>,
          tpu.vector_store %arg10[%swap3A_264, %swap3A_265], %add3A_263 {strides = array<i32>} : memref<320x128xf32, #tpu.memory_space<vmem>>, vector<16xf32>,
          %mul3A_267 = arith.constant 16 : i32
          %mul3A_268 = arith.muli %while3A_196, %mul3A_267 : i32
          %add3A_269 = arith.constant 1 : i32
          %add3A_270 = arith.addi %mul3A_268, %add3A_269 : i32
          %broadcast_in_dim3A_271 = vector.broadcast %add3A_270 : i32 to vector<16xi32>
          %gather3A_272 = tpu.vector_load_idx %arg21[%broadcast_in_dim3A_271] : memref<1024xf32, #tpu.memory_space<vmem>>[vector<16xi32>], vector<16xf32>,
          %get3A_273 = arith.index_cast %squeeze3A : i32 to index
          %get3A_274 = arith.constant 32 : index
          %get3A_275 = tpu.vector_load %arg10[%get3A_273, %get3A_274] {strides = array<i32>} : memref<320x128xf32, #tpu.memory_space<vmem>>, vector<16xf32>,
          %get3A_276 = arith.index_cast %while3A_196 : i32 to index
          %get3A_277 = arith.constant 32 : index
          %get3A_278 = tpu.vector_load %arg20[%get3A_276, %get3A_277] {strides = array<i32>} : memref<64x128xf32, #tpu.memory_space<vmem>>, vector<16xf32>,
          %mul3A_279 = arith.mulf %get3A_278, %gather3A_272 : vector<16xf32>
          %add3A_280 = arith.addf %get3A_275, %mul3A_279 : vector<16xf32>
          %swap3A_281 = arith.index_cast %squeeze3A : i32 to index
          %swap3A_282 = arith.constant 32 : index
          %swap3A_283 = tpu.vector_load %arg10[%swap3A_281, %swap3A_282] {strides = array<i32>} : memref<320x128xf32, #tpu.memory_space<vmem>>, vector<16xf32>,
          tpu.vector_store %arg10[%swap3A_281, %swap3A_282], %add3A_280 {strides = array<i32>} : memref<320x128xf32, #tpu.memory_space<vmem>>, vector<16xf32>,
          %mul3A_284 = arith.constant 16 : i32
          %mul3A_285 = arith.muli %while3A_196, %mul3A_284 : i32
          %add3A_286 = arith.constant 1 : i32
          %add3A_287 = arith.addi %mul3A_285, %add3A_286 : i32
          %broadcast_in_dim3A_288 = vector.broadcast %add3A_287 : i32 to vector<16xi32>
          %gather3A_289 = tpu.vector_load_idx %arg21[%broadcast_in_dim3A_288] : memref<1024xf32, #tpu.memory_space<vmem>>[vector<16xi32>], vector<16xf32>,
          %get3A_290 = arith.index_cast %squeeze3A : i32 to index
          %get3A_291 = arith.constant 48 : index
          %get3A_292 = tpu.vector_load %arg10[%get3A_290, %get3A_291] {strides = array<i32>} : memref<320x128xf32, #tpu.memory_space<vmem>>, vector<16xf32>,
          %get3A_293 = arith.index_cast %while3A_196 : i32 to index
          %get3A_294 = arith.constant 48 : index
          %get3A_295 = tpu.vector_load %arg20[%get3A_293, %get3A_294] {strides = array<i32>} : memref<64x128xf32, #tpu.memory_space<vmem>>, vector<16xf32>,
          %mul3A_296 = arith.mulf %get3A_295, %gather3A_289 : vector<16xf32>
          %add3A_297 = arith.addf %get3A_292, %mul3A_296 : vector<16xf32>
          %swap3A_298 = arith.index_cast %squeeze3A : i32 to index
          %swap3A_299 = arith.constant 48 : index
          %swap3A_300 = tpu.vector_load %arg10[%swap3A_298, %swap3A_299] {strides = array<i32>} : memref<320x128xf32, #tpu.memory_space<vmem>>, vector<16xf32>,
          tpu.vector_store %arg10[%swap3A_298, %swap3A_299], %add3A_297 {strides = array<i32>} : memref<320x128xf32, #tpu.memory_space<vmem>>, vector<16xf32>,
          %mul3A_301 = arith.constant 16 : i32
          %mul3A_302 = arith.muli %while3A_196, %mul3A_301 : i32
          %add3A_303 = arith.constant 2 : i32
          %add3A_304 = arith.addi %mul3A_302, %add3A_303 : i32
          %broadcast_in_dim3A_305 = vector.broadcast %add3A_304 : i32 to vector<16xi32>
          %gather3A_306 = tpu.vector_load_idx %arg21[%broadcast_in_dim3A_305] : memref<1024xf32, #tpu.memory_space<vmem>>[vector<16xi32>], vector<16xf32>,
          %get3A_307 = arith.index_cast %squeeze3A : i32 to index
          %get3A_308 = arith.constant 64 : index
          %get3A_309 = tpu.vector_load %arg10[%get3A_307, %get3A_308] {strides = array<i32>} : memref<320x128xf32, #tpu.memory_space<vmem>>, vector<16xf32>,
          %get3A_310 = arith.index_cast %while3A_196 : i32 to index
          %get3A_311 = arith.constant 64 : index
          %get3A_312 = tpu.vector_load %arg20[%get3A_310, %get3A_311] {strides = array<i32>} : memref<64x128xf32, #tpu.memory_space<vmem>>, vector<16xf32>,
          %mul3A_313 = arith.mulf %get3A_312, %gather3A_306 : vector<16xf32>
          %add3A_314 = arith.addf %get3A_309, %mul3A_313 : vector<16xf32>
          %swap3A_315 = arith.index_cast %squeeze3A : i32 to index
          %swap3A_316 = arith.constant 64 : index
          %swap3A_317 = tpu.vector_load %arg10[%swap3A_315, %swap3A_316] {strides = array<i32>} : memref<320x128xf32, #tpu.memory_space<vmem>>, vector<16xf32>,
          tpu.vector_store %arg10[%swap3A_315, %swap3A_316], %add3A_314 {strides = array<i32>} : memref<320x128xf32, #tpu.memory_space<vmem>>, vector<16xf32>,
          %mul3A_318 = arith.constant 16 : i32
          %mul3A_319 = arith.muli %while3A_196, %mul3A_318 : i32
          %add3A_320 = arith.constant 2 : i32
          %add3A_321 = arith.addi %mul3A_319, %add3A_320 : i32
          %broadcast_in_dim3A_322 = vector.broadcast %add3A_321 : i32 to vector<16xi32>
          %gather3A_323 = tpu.vector_load_idx %arg21[%broadcast_in_dim3A_322] : memref<1024xf32, #tpu.memory_space<vmem>>[vector<16xi32>], vector<16xf32>,
          %get3A_324 = arith.index_cast %squeeze3A : i32 to index
          %get3A_325 = arith.constant 80 : index
          %get3A_326 = tpu.vector_load %arg10[%get3A_324, %get3A_325] {strides = array<i32>} : memref<320x128xf32, #tpu.memory_space<vmem>>, vector<16xf32>,
          %get3A_327 = arith.index_cast %while3A_196 : i32 to index
          %get3A_328 = arith.constant 80 : index
          %get3A_329 = tpu.vector_load %arg20[%get3A_327, %get3A_328] {strides = array<i32>} : memref<64x128xf32, #tpu.memory_space<vmem>>, vector<16xf32>,
          %mul3A_330 = arith.mulf %get3A_329, %gather3A_323 : vector<16xf32>
          %add3A_331 = arith.addf %get3A_326, %mul3A_330 : vector<16xf32>
          %swap3A_332 = arith.index_cast %squeeze3A : i32 to index
          %swap3A_333 = arith.constant 80 : index
          %swap3A_334 = tpu.vector_load %arg10[%swap3A_332, %swap3A_333] {strides = array<i32>} : memref<320x128xf32, #tpu.memory_space<vmem>>, vector<16xf32>,
          tpu.vector_store %arg10[%swap3A_332, %swap3A_333], %add3A_331 {strides = array<i32>} : memref<320x128xf32, #tpu.memory_space<vmem>>, vector<16xf32>,
          %mul3A_335 = arith.constant 16 : i32
          %mul3A_336 = arith.muli %while3A_196, %mul3A_335 : i32
          %add3A_337 = arith.constant 3 : i32
          %add3A_338 = arith.addi %mul3A_336, %add3A_337 : i32
          %broadcast_in_dim3A_339 = vector.broadcast %add3A_338 : i32 to vector<16xi32>
          %gather3A_340 = tpu.vector_load_idx %arg21[%broadcast_in_dim3A_339] : memref<1024xf32, #tpu.memory_space<vmem>>[vector<16xi32>], vector<16xf32>,
          %get3A_341 = arith.index_cast %squeeze3A : i32 to index
          %get3A_342 = arith.constant 96 : index
          %get3A_343 = tpu.vector_load %arg10[%get3A_341, %get3A_342] {strides = array<i32>} : memref<320x128xf32, #tpu.memory_space<vmem>>, vector<16xf32>,
          %get3A_344 = arith.index_cast %while3A_196 : i32 to index
          %get3A_345 = arith.constant 96 : index
          %get3A_346 = tpu.vector_load %arg20[%get3A_344, %get3A_345] {strides = array<i32>} : memref<64x128xf32, #tpu.memory_space<vmem>>, vector<16xf32>,
          %mul3A_347 = arith.mulf %get3A_346, %gather3A_340 : vector<16xf32>
          %add3A_348 = arith.addf %get3A_343, %mul3A_347 : vector<16xf32>
          %swap3A_349 = arith.index_cast %squeeze3A : i32 to index
          %swap3A_350 = arith.constant 96 : index
          %swap3A_351 = tpu.vector_load %arg10[%swap3A_349, %swap3A_350] {strides = array<i32>} : memref<320x128xf32, #tpu.memory_space<vmem>>, vector<16xf32>,
          tpu.vector_store %arg10[%swap3A_349, %swap3A_350], %add3A_348 {strides = array<i32>} : memref<320x128xf32, #tpu.memory_space<vmem>>, vector<16xf32>,
          %mul3A_352 = arith.constant 16 : i32
          %mul3A_353 = arith.muli %while3A_196, %mul3A_352 : i32
          %add3A_354 = arith.constant 3 : i32
          %add3A_355 = arith.addi %mul3A_353, %add3A_354 : i32
          %broadcast_in_dim3A_356 = vector.broadcast %add3A_355 : i32 to vector<16xi32>
          %gather3A_357 = tpu.vector_load_idx %arg21[%broadcast_in_dim3A_356] : memref<1024xf32, #tpu.memory_space<vmem>>[vector<16xi32>], vector<16xf32>,
          %get3A_358 = arith.index_cast %squeeze3A : i32 to index
          %get3A_359 = arith.constant 112 : index
          %get3A_360 = tpu.vector_load %arg10[%get3A_358, %get3A_359] {strides = array<i32>} : memref<320x128xf32, #tpu.memory_space<vmem>>, vector<16xf32>,
          %get3A_361 = arith.index_cast %while3A_196 : i32 to index
          %get3A_362 = arith.constant 112 : index
          %get3A_363 = tpu.vector_load %arg20[%get3A_361, %get3A_362] {strides = array<i32>} : memref<64x128xf32, #tpu.memory_space<vmem>>, vector<16xf32>,
          %mul3A_364 = arith.mulf %get3A_363, %gather3A_357 : vector<16xf32>
          %add3A_365 = arith.addf %get3A_360, %mul3A_364 : vector<16xf32>
          %swap3A_366 = arith.index_cast %squeeze3A : i32 to index
          %swap3A_367 = arith.constant 112 : index
          %swap3A_368 = tpu.vector_load %arg10[%swap3A_366, %swap3A_367] {strides = array<i32>} : memref<320x128xf32, #tpu.memory_space<vmem>>, vector<16xf32>,
          tpu.vector_store %arg10[%swap3A_366, %swap3A_367], %add3A_365 {strides = array<i32>} : memref<320x128xf32, #tpu.memory_space<vmem>>, vector<16xf32>,
        }
      }
    }
    %scan3A_27 = arith.constant 80 : i32
    "tpu.region"() ({
      %run_scoped3A = tpu.sem_alloc : memref<!tpu.dma_semaphore, #tpu.memory_space<semaphore_mem>>
      %dma_start3A = arith.constant 0 : i32
      %dma_start3A_31 = arith.constant 0 : i32
      %dma_start3A_32 = tpu.memref_slice %arg10[%dma_start3A, %dma_start3A_31] : memref<320x128xf32, #tpu.memory_space<vmem>> -> memref<312x128xf32, #tpu.memory_space<vmem>>
      %dma_start3A_33 = arith.constant 0 : i32
      %dma_start3A_34 = tpu.memref_slice %arg8[%add3A_6, %dma_start3A_33] : memref<10000x128xf32, #tpu.memory_space<hbm>> -> memref<312x128xf32, #tpu.memory_space<hbm>>
      %dma_start3A_35 = arith.constant 0 : i32
      %dma_start3A_36 = tpu.memref_slice %arg8[%add3A_6, %dma_start3A_35] : memref<10000x128xf32, #tpu.memory_space<hbm>> -> memref<312x128xf32, #tpu.memory_space<hbm>>
      %dma_start3A_37 = arith.constant 0 : i32
      %dma_start3A_38 = arith.constant 0 : i32
      %dma_start3A_39 = tpu.memref_slice %arg10[%dma_start3A_37, %dma_start3A_38] : memref<320x128xf32, #tpu.memory_space<vmem>> -> memref<312x128xf32, #tpu.memory_space<vmem>>
      tpu.enqueue_dma source(%dma_start3A_39 : memref<312x128xf32, #tpu.memory_space<vmem>>) target(%dma_start3A_36 : memref<312x128xf32, #tpu.memory_space<hbm>>) target_semaphore(%run_scoped3A : memref<!tpu.dma_semaphore, #tpu.memory_space<semaphore_mem>>)
      %dma_wait3A = arith.constant 0 : i32
      %dma_wait3A_40 = arith.constant 0 : i32
      %dma_wait3A_41 = tpu.memref_slice %arg10[%dma_wait3A, %dma_wait3A_40] : memref<320x128xf32, #tpu.memory_space<vmem>> -> memref<312x128xf32, #tpu.memory_space<vmem>>
      %dma_wait3A_42 = arith.constant 0 : i32
      %dma_wait3A_43 = tpu.memref_slice %arg8[%add3A_6, %dma_wait3A_42] : memref<10000x128xf32, #tpu.memory_space<hbm>> -> memref<312x128xf32, #tpu.memory_space<hbm>>
      %dma_wait3A_44 = arith.constant 0 : i32
      %dma_wait3A_45 = tpu.memref_slice %arg8[%add3A_6, %dma_wait3A_44] : memref<10000x128xf32, #tpu.memory_space<hbm>> -> memref<312x128xf32, #tpu.memory_space<hbm>>
      %dma_wait3A_46 = arith.constant 0 : i32
      %dma_wait3A_47 = arith.constant 0 : i32
      %dma_wait3A_48 = tpu.memref_slice %arg10[%dma_wait3A_46, %dma_wait3A_47] : memref<320x128xf32, #tpu.memory_space<vmem>> -> memref<312x128xf32, #tpu.memory_space<vmem>>
      tpu.wait_dma2 semaphore(%run_scoped3A : memref<!tpu.dma_semaphore, #tpu.memory_space<semaphore_mem>>) src(%dma_wait3A_48 : memref<312x128xf32, #tpu.memory_space<vmem>>) dst(%dma_wait3A_45 : memref<312x128xf32, #tpu.memory_space<hbm>>)
      tpu.yield
    }) : () -> ()
    "tpu.region"() ({
      %run_scoped3A = tpu.sem_alloc : memref<!tpu.dma_semaphore, #tpu.memory_space<semaphore_mem>>
      %dma_start3A = arith.constant 0 : i32
      %dma_start3A_31 = arith.constant 0 : i32
      %dma_start3A_32 = tpu.memref_slice %arg11[%dma_start3A, %dma_start3A_31] : memref<320x16xf32, #tpu.memory_space<vmem>> -> memref<312x16xf32, #tpu.memory_space<vmem>>
      %dma_start3A_33 = arith.constant 0 : i32
      %dma_start3A_34 = tpu.memref_slice %arg9[%add3A_6, %dma_start3A_33] : memref<10000x16xf32, #tpu.memory_space<hbm>> -> memref<312x16xf32, #tpu.memory_space<hbm>>
      %dma_start3A_35 = arith.constant 0 : i32
      %dma_start3A_36 = tpu.memref_slice %arg9[%add3A_6, %dma_start3A_35] : memref<10000x16xf32, #tpu.memory_space<hbm>> -> memref<312x16xf32, #tpu.memory_space<hbm>>
      %dma_start3A_37 = arith.constant 0 : i32
      %dma_start3A_38 = arith.constant 0 : i32
      %dma_start3A_39 = tpu.memref_slice %arg11[%dma_start3A_37, %dma_start3A_38] : memref<320x16xf32, #tpu.memory_space<vmem>> -> memref<312x16xf32, #tpu.memory_space<vmem>>
      tpu.enqueue_dma source(%dma_start3A_39 : memref<312x16xf32, #tpu.memory_space<vmem>>) target(%dma_start3A_36 : memref<312x16xf32, #tpu.memory_space<hbm>>) target_semaphore(%run_scoped3A : memref<!tpu.dma_semaphore, #tpu.memory_space<semaphore_mem>>)
      %dma_wait3A = arith.constant 0 : i32
      %dma_wait3A_40 = arith.constant 0 : i32
      %dma_wait3A_41 = tpu.memref_slice %arg11[%dma_wait3A, %dma_wait3A_40] : memref<320x16xf32, #tpu.memory_space<vmem>> -> memref<312x16xf32, #tpu.memory_space<vmem>>
      %dma_wait3A_42 = arith.constant 0 : i32
      %dma_wait3A_43 = tpu.memref_slice %arg9[%add3A_6, %dma_wait3A_42] : memref<10000x16xf32, #tpu.memory_space<hbm>> -> memref<312x16xf32, #tpu.memory_space<hbm>>
      %dma_wait3A_44 = arith.constant 0 : i32
      %dma_wait3A_45 = tpu.memref_slice %arg9[%add3A_6, %dma_wait3A_44] : memref<10000x16xf32, #tpu.memory_space<hbm>> -> memref<312x16xf32, #tpu.memory_space<hbm>>
      %dma_wait3A_46 = arith.constant 0 : i32
      %dma_wait3A_47 = arith.constant 0 : i32
      %dma_wait3A_48 = tpu.memref_slice %arg11[%dma_wait3A_46, %dma_wait3A_47] : memref<320x16xf32, #tpu.memory_space<vmem>> -> memref<312x16xf32, #tpu.memory_space<vmem>>
      tpu.wait_dma2 semaphore(%run_scoped3A : memref<!tpu.dma_semaphore, #tpu.memory_space<semaphore_mem>>) src(%dma_wait3A_48 : memref<312x16xf32, #tpu.memory_space<vmem>>) dst(%dma_wait3A_45 : memref<312x16xf32, #tpu.memory_space<hbm>>)
      tpu.yield
    }) : () -> ()
    %lt3A_28 = arith.constant 2 : i32
    %lt3A_29 = arith.cmpi slt, %add3A, %lt3A_28 : i32
    %convert_element_type3A = arith.extui %lt3A_29 : i1 to i32
    %cond3A = arith.constant 0 : i32
    %cond3A_30 = arith.cmpi ne, %convert_element_type3A, %cond3A : i32
    scf.if %cond3A_30 {
      %add3A_31 = arith.constant 312 : i32
      %add3A_32 = arith.addi %add3A_6, %add3A_31 : i32
      "tpu.region"() ({
        %run_scoped3A = tpu.sem_alloc : memref<!tpu.dma_semaphore, #tpu.memory_space<semaphore_mem>>
        %dma_start3A = arith.constant 312 : i32
        %dma_start3A_35 = arith.constant 0 : i32
        %dma_start3A_36 = tpu.memref_slice %arg10[%dma_start3A, %dma_start3A_35] : memref<320x128xf32, #tpu.memory_space<vmem>> -> memref<8x128xf32, #tpu.memory_space<vmem>>
        %dma_start3A_37 = arith.constant 0 : i32
        %dma_start3A_38 = tpu.memref_slice %arg8[%add3A_32, %dma_start3A_37] : memref<10000x128xf32, #tpu.memory_space<hbm>> -> memref<8x128xf32, #tpu.memory_space<hbm>>
        %dma_start3A_39 = arith.constant 0 : i32
        %dma_start3A_40 = tpu.memref_slice %arg8[%add3A_32, %dma_start3A_39] : memref<10000x128xf32, #tpu.memory_space<hbm>> -> memref<8x128xf32, #tpu.memory_space<hbm>>
        %dma_start3A_41 = arith.constant 312 : i32
        %dma_start3A_42 = arith.constant 0 : i32
        %dma_start3A_43 = tpu.memref_slice %arg10[%dma_start3A_41, %dma_start3A_42] : memref<320x128xf32, #tpu.memory_space<vmem>> -> memref<8x128xf32, #tpu.memory_space<vmem>>
        tpu.enqueue_dma source(%dma_start3A_43 : memref<8x128xf32, #tpu.memory_space<vmem>>) target(%dma_start3A_40 : memref<8x128xf32, #tpu.memory_space<hbm>>) target_semaphore(%run_scoped3A : memref<!tpu.dma_semaphore, #tpu.memory_space<semaphore_mem>>)
        %dma_wait3A = arith.constant 312 : i32
        %dma_wait3A_44 = arith.constant 0 : i32
        %dma_wait3A_45 = tpu.memref_slice %arg10[%dma_wait3A, %dma_wait3A_44] : memref<320x128xf32, #tpu.memory_space<vmem>> -> memref<8x128xf32, #tpu.memory_space<vmem>>
        %dma_wait3A_46 = arith.constant 0 : i32
        %dma_wait3A_47 = tpu.memref_slice %arg8[%add3A_32, %dma_wait3A_46] : memref<10000x128xf32, #tpu.memory_space<hbm>> -> memref<8x128xf32, #tpu.memory_space<hbm>>
        %dma_wait3A_48 = arith.constant 0 : i32
        %dma_wait3A_49 = tpu.memref_slice %arg8[%add3A_32, %dma_wait3A_48] : memref<10000x128xf32, #tpu.memory_space<hbm>> -> memref<8x128xf32, #tpu.memory_space<hbm>>
        %dma_wait3A_50 = arith.constant 312 : i32
        %dma_wait3A_51 = arith.constant 0 : i32
        %dma_wait3A_52 = tpu.memref_slice %arg10[%dma_wait3A_50, %dma_wait3A_51] : memref<320x128xf32, #tpu.memory_space<vmem>> -> memref<8x128xf32, #tpu.memory_space<vmem>>
        tpu.wait_dma2 semaphore(%run_scoped3A : memref<!tpu.dma_semaphore, #tpu.memory_space<semaphore_mem>>) src(%dma_wait3A_52 : memref<8x128xf32, #tpu.memory_space<vmem>>) dst(%dma_wait3A_49 : memref<8x128xf32, #tpu.memory_space<hbm>>)
        tpu.yield
      }) : () -> ()
      %add3A_33 = arith.constant 312 : i32
      %add3A_34 = arith.addi %add3A_6, %add3A_33 : i32
      "tpu.region"() ({
        %run_scoped3A = tpu.sem_alloc : memref<!tpu.dma_semaphore, #tpu.memory_space<semaphore_mem>>
        %dma_start3A = arith.constant 312 : i32
        %dma_start3A_35 = arith.constant 0 : i32
        %dma_start3A_36 = tpu.memref_slice %arg11[%dma_start3A, %dma_start3A_35] : memref<320x16xf32, #tpu.memory_space<vmem>> -> memref<8x16xf32, #tpu.memory_space<vmem>>
        %dma_start3A_37 = arith.constant 0 : i32
        %dma_start3A_38 = tpu.memref_slice %arg9[%add3A_34, %dma_start3A_37] : memref<10000x16xf32, #tpu.memory_space<hbm>> -> memref<8x16xf32, #tpu.memory_space<hbm>>
        %dma_start3A_39 = arith.constant 0 : i32
        %dma_start3A_40 = tpu.memref_slice %arg9[%add3A_34, %dma_start3A_39] : memref<10000x16xf32, #tpu.memory_space<hbm>> -> memref<8x16xf32, #tpu.memory_space<hbm>>
        %dma_start3A_41 = arith.constant 312 : i32
        %dma_start3A_42 = arith.constant 0 : i32
        %dma_start3A_43 = tpu.memref_slice %arg11[%dma_start3A_41, %dma_start3A_42] : memref<320x16xf32, #tpu.memory_space<vmem>> -> memref<8x16xf32, #tpu.memory_space<vmem>>
        tpu.enqueue_dma source(%dma_start3A_43 : memref<8x16xf32, #tpu.memory_space<vmem>>) target(%dma_start3A_40 : memref<8x16xf32, #tpu.memory_space<hbm>>) target_semaphore(%run_scoped3A : memref<!tpu.dma_semaphore, #tpu.memory_space<semaphore_mem>>)
        %dma_wait3A = arith.constant 312 : i32
        %dma_wait3A_44 = arith.constant 0 : i32
        %dma_wait3A_45 = tpu.memref_slice %arg11[%dma_wait3A, %dma_wait3A_44] : memref<320x16xf32, #tpu.memory_space<vmem>> -> memref<8x16xf32, #tpu.memory_space<vmem>>
        %dma_wait3A_46 = arith.constant 0 : i32
        %dma_wait3A_47 = tpu.memref_slice %arg9[%add3A_34, %dma_wait3A_46] : memref<10000x16xf32, #tpu.memory_space<hbm>> -> memref<8x16xf32, #tpu.memory_space<hbm>>
        %dma_wait3A_48 = arith.constant 0 : i32
        %dma_wait3A_49 = tpu.memref_slice %arg9[%add3A_34, %dma_wait3A_48] : memref<10000x16xf32, #tpu.memory_space<hbm>> -> memref<8x16xf32, #tpu.memory_space<hbm>>
        %dma_wait3A_50 = arith.constant 312 : i32
        %dma_wait3A_51 = arith.constant 0 : i32
        %dma_wait3A_52 = tpu.memref_slice %arg11[%dma_wait3A_50, %dma_wait3A_51] : memref<320x16xf32, #tpu.memory_space<vmem>> -> memref<8x16xf32, #tpu.memory_space<vmem>>
        tpu.wait_dma2 semaphore(%run_scoped3A : memref<!tpu.dma_semaphore, #tpu.memory_space<semaphore_mem>>) src(%dma_wait3A_52 : memref<8x16xf32, #tpu.memory_space<vmem>>) dst(%dma_wait3A_49 : memref<8x16xf32, #tpu.memory_space<hbm>>)
        tpu.yield
      }) : () -> ()
    } else {
    }
    return
  }
}

module attributes {stable_mosaic.version = 14 : i64} {
  func.func @_proj_body(%arg0: i32, %arg1: memref<1000x128xf32, #tpu.memory_space<vmem>>, %arg2: memref<128x128xf32, #tpu.memory_space<vmem>>, %arg3: memref<128x8xf32, #tpu.memory_space<vmem>>, %arg4: memref<1000x128xf32, #tpu.memory_space<vmem>>, %arg5: memref<1000x16xf32, #tpu.memory_space<vmem>>, %arg6: memref<1000x16xf32, #tpu.memory_space<vmem>>) attributes {dimension_semantics = [#tpu.dimension_semantics<arbitrary>], iteration_bounds = array<i64: 10>, scalar_prefetch = 0 : i64, scratch_operands = 0 : i64, tpu.core_type = #tpu.core_type<tc>, window_params = [{transform_indices = @transform_0, window_bounds = array<i64: 1000, 128>}, {pipeline_mode = #tpu.pipeline_mode<synchronous>, transform_indices = @transform_1, window_bounds = array<i64: 128, 128>}, {pipeline_mode = #tpu.pipeline_mode<synchronous>, transform_indices = @transform_2, window_bounds = array<i64: 128, 8>}, {transform_indices = @transform_3, window_bounds = array<i64: 1000, 128>}, {transform_indices = @transform_4, window_bounds = array<i64: 1000, 16>}, {transform_indices = @transform_5, window_bounds = array<i64: 1000, 16>}]} {
    %get3A = arith.constant 0 : index
    %get3A_0 = arith.constant 0 : index
    %get3A_1 = vector.load %arg1[%get3A, %get3A_0] : memref<1000x128xf32, #tpu.memory_space<vmem>>, vector<1000x128xf32>
    %get3A_2 = arith.constant 0 : index
    %get3A_3 = arith.constant 0 : index
    %get3A_4 = vector.load %arg2[%get3A_2, %get3A_3] : memref<128x128xf32, #tpu.memory_space<vmem>>, vector<128x128xf32>
    %dot_general3A = arith.constant dense<0.000000e+00> : vector<1000x128xf32>
    %dot_general3A_5 = tpu.matmul %get3A_1, %get3A_4, %dot_general3A {dimension_numbers = #tpu.dot_dimension_numbers<[1], [0], [0], [1], [0, 0, 1, 1], [], []>, transpose_lhs_hint = false} : vector<1000x128xf32>, vector<128x128xf32>, vector<1000x128xf32> -> vector<1000x128xf32>
    %swap3A = arith.constant 0 : index
    %swap3A_6 = arith.constant 0 : index
    %swap3A_7 = vector.load %arg4[%swap3A, %swap3A_6] : memref<1000x128xf32, #tpu.memory_space<vmem>>, vector<1000x128xf32>
    tpu.vector_store %arg4[%swap3A, %swap3A_6], %dot_general3A_5 {strides = array<i32>} : memref<1000x128xf32, #tpu.memory_space<vmem>>, vector<1000x128xf32>,
    %get3A_8 = arith.constant 0 : index
    %get3A_9 = arith.constant 0 : index
    %get3A_10 = vector.load %arg3[%get3A_8, %get3A_9] : memref<128x8xf32, #tpu.memory_space<vmem>>, vector<128x8xf32>
    %dot_general3A_11 = arith.constant dense<0.000000e+00> : vector<1000x8xf32>
    %dot_general3A_12 = tpu.matmul %get3A_1, %get3A_10, %dot_general3A_11 {dimension_numbers = #tpu.dot_dimension_numbers<[1], [0], [0], [1], [0, 0, 1, 1], [], []>, transpose_lhs_hint = false} : vector<1000x128xf32>, vector<128x8xf32>, vector<1000x8xf32> -> vector<1000x8xf32>
    %broadcast_in_dim3A = arith.constant 0.000000e+00 : f32
    %broadcast_in_dim3A_13 = vector.broadcast %broadcast_in_dim3A : f32 to vector<1000x12xf32>
    %slice3A = vector.extract_strided_slice %dot_general3A_12 {offsets = [0, 0], sizes = [1000, 4], strides = [1, 1]} : vector<1000x8xf32> to vector<1000x4xf32>
    %concatenate3A = tpu.concatenate %slice3A, %broadcast_in_dim3A_13 in 1 : vector<1000x4xf32>, vector<1000x12xf32> -> vector<1000x16xf32>
    %swap3A_14 = arith.constant 0 : index
    %swap3A_15 = arith.constant 0 : index
    %swap3A_16 = vector.load %arg5[%swap3A_14, %swap3A_15] : memref<1000x16xf32, #tpu.memory_space<vmem>>, vector<1000x16xf32>
    tpu.vector_store %arg5[%swap3A_14, %swap3A_15], %concatenate3A {strides = array<i32>} : memref<1000x16xf32, #tpu.memory_space<vmem>>, vector<1000x16xf32>,
    %slice3A_17 = vector.extract_strided_slice %dot_general3A_12 {offsets = [0, 4], sizes = [1000, 4], strides = [1, 1]} : vector<1000x8xf32> to vector<1000x4xf32>
    %concatenate3A_18 = tpu.concatenate %slice3A_17, %broadcast_in_dim3A_13 in 1 : vector<1000x4xf32>, vector<1000x12xf32> -> vector<1000x16xf32>
    %swap3A_19 = arith.constant 0 : index
    %swap3A_20 = arith.constant 0 : index
    %swap3A_21 = vector.load %arg6[%swap3A_19, %swap3A_20] : memref<1000x16xf32, #tpu.memory_space<vmem>>, vector<1000x16xf32>
    tpu.vector_store %arg6[%swap3A_19, %swap3A_20], %concatenate3A_18 {strides = array<i32>} : memref<1000x16xf32, #tpu.memory_space<vmem>>, vector<1000x16xf32>,
    return
  }
  func.func @transform_0(%arg0: i32) -> (i32, i32) {
    %c0_i32 = arith.constant 0 : i32
    %c0_i32_0 = arith.constant 0 : i32
    return %arg0, %c0_i32 : i32, i32
  }
  func.func @transform_1(%arg0: i32) -> (i32, i32) {
    %c0_i32 = arith.constant 0 : i32
    %c0_i32_0 = arith.constant 0 : i32
    %c0_i32_1 = arith.constant 0 : i32
    return %c0_i32, %c0_i32_0 : i32, i32
  }
  func.func @transform_2(%arg0: i32) -> (i32, i32) {
    %c0_i32 = arith.constant 0 : i32
    %c0_i32_0 = arith.constant 0 : i32
    %c0_i32_1 = arith.constant 0 : i32
    return %c0_i32, %c0_i32_0 : i32, i32
  }
  func.func @transform_3(%arg0: i32) -> (i32, i32) {
    %c0_i32 = arith.constant 0 : i32
    %c0_i32_0 = arith.constant 0 : i32
    return %arg0, %c0_i32 : i32, i32
  }
  func.func @transform_4(%arg0: i32) -> (i32, i32) {
    %c0_i32 = arith.constant 0 : i32
    %c0_i32_0 = arith.constant 0 : i32
    return %arg0, %c0_i32 : i32, i32
  }
  func.func @transform_5(%arg0: i32) -> (i32, i32) {
    %c0_i32 = arith.constant 0 : i32
    %c0_i32_0 = arith.constant 0 : i32
    return %arg0, %c0_i32 : i32, i32
  }
}

module attributes {stable_mosaic.version = 14 : i64} {
  func.func @_edge_proj_body(%arg0: i32, %arg1: memref<4000x16xf32, #tpu.memory_space<vmem>>, %arg2: memref<16x4xf32, #tpu.memory_space<vmem>>, %arg3: memref<4000x16xf32, #tpu.memory_space<vmem>>) attributes {dimension_semantics = [#tpu.dimension_semantics<arbitrary>], iteration_bounds = array<i64: 80>, scalar_prefetch = 0 : i64, scratch_operands = 0 : i64, tpu.core_type = #tpu.core_type<tc>, window_params = [{transform_indices = @transform_0, window_bounds = array<i64: 4000, 16>}, {pipeline_mode = #tpu.pipeline_mode<synchronous>, transform_indices = @transform_1, window_bounds = array<i64: 16, 4>}, {transform_indices = @transform_2, window_bounds = array<i64: 4000, 16>}]} {
    %get3A = arith.constant 0 : index
    %get3A_0 = arith.constant 0 : index
    %get3A_1 = vector.load %arg1[%get3A, %get3A_0] : memref<4000x16xf32, #tpu.memory_space<vmem>>, vector<4000x16xf32>
    %get3A_2 = arith.constant 0 : index
    %get3A_3 = arith.constant 0 : index
    %get3A_4 = vector.load %arg2[%get3A_2, %get3A_3] : memref<16x4xf32, #tpu.memory_space<vmem>>, vector<16x4xf32>
    %dot_general3A = arith.constant dense<0.000000e+00> : vector<4000x4xf32>
    %dot_general3A_5 = tpu.matmul %get3A_1, %get3A_4, %dot_general3A {dimension_numbers = #tpu.dot_dimension_numbers<[1], [0], [0], [1], [0, 0, 1, 1], [], []>, transpose_lhs_hint = false} : vector<4000x16xf32>, vector<16x4xf32>, vector<4000x4xf32> -> vector<4000x4xf32>
    %broadcast_in_dim3A = arith.constant 0.000000e+00 : f32
    %broadcast_in_dim3A_6 = vector.broadcast %broadcast_in_dim3A : f32 to vector<4000x12xf32>
    %concatenate3A = tpu.concatenate %dot_general3A_5, %broadcast_in_dim3A_6 in 1 : vector<4000x4xf32>, vector<4000x12xf32> -> vector<4000x16xf32>
    %swap3A = arith.constant 0 : index
    %swap3A_7 = arith.constant 0 : index
    %swap3A_8 = vector.load %arg3[%swap3A, %swap3A_7] : memref<4000x16xf32, #tpu.memory_space<vmem>>, vector<4000x16xf32>
    tpu.vector_store %arg3[%swap3A, %swap3A_7], %concatenate3A {strides = array<i32>} : memref<4000x16xf32, #tpu.memory_space<vmem>>, vector<4000x16xf32>,
    return
  }
  func.func @transform_0(%arg0: i32) -> (i32, i32) {
    %c0_i32 = arith.constant 0 : i32
    %c0_i32_0 = arith.constant 0 : i32
    return %arg0, %c0_i32 : i32, i32
  }
  func.func @transform_1(%arg0: i32) -> (i32, i32) {
    %c0_i32 = arith.constant 0 : i32
    %c0_i32_0 = arith.constant 0 : i32
    %c0_i32_1 = arith.constant 0 : i32
    return %c0_i32, %c0_i32_0 : i32, i32
  }
  func.func @transform_2(%arg0: i32) -> (i32, i32) {
    %c0_i32 = arith.constant 0 : i32
    %c0_i32_0 = arith.constant 0 : i32
    return %arg0, %c0_i32 : i32, i32
  }
}

module attributes {stable_mosaic.version = 14 : i64} {
  func.func @_rdenom_body(%arg0: i32, %arg1: memref<2000x4xf32, #tpu.memory_space<vmem>>, %arg2: memref<2000x4xf32, #tpu.memory_space<vmem>>) attributes {dimension_semantics = [#tpu.dimension_semantics<arbitrary>], iteration_bounds = array<i64: 5>, scalar_prefetch = 0 : i64, scratch_operands = 0 : i64, tpu.core_type = #tpu.core_type<tc>, window_params = [{transform_indices = @transform_0, window_bounds = array<i64: 2000, 4>}, {transform_indices = @transform_1, window_bounds = array<i64: 2000, 4>}]} {
    %get3A = arith.constant 0 : index
    %get3A_0 = arith.constant 0 : index
    %get3A_1 = vector.load %arg1[%get3A, %get3A_0] : memref<2000x4xf32, #tpu.memory_space<vmem>>, vector<2000x4xf32>
    %max3A = arith.constant 9.99999971E-10 : f32
    %max3A_2 = vector.broadcast %max3A : f32 to vector<2000x4xf32>
    %max3A_3 = arith.maximumf %get3A_1, %max3A_2 : vector<2000x4xf32>
    %div3A = arith.constant 1.000000e+00 : f32
    %div3A_4 = vector.broadcast %div3A : f32 to vector<2000x4xf32>
    %div3A_5 = arith.divf %div3A_4, %max3A_3 : vector<2000x4xf32>
    %swap3A = arith.constant 0 : index
    %swap3A_6 = arith.constant 0 : index
    %swap3A_7 = vector.load %arg2[%swap3A, %swap3A_6] : memref<2000x4xf32, #tpu.memory_space<vmem>>, vector<2000x4xf32>
    tpu.vector_store %arg2[%swap3A, %swap3A_6], %div3A_5 {strides = array<i32>} : memref<2000x4xf32, #tpu.memory_space<vmem>>, vector<2000x4xf32>,
    return
  }
  func.func @transform_0(%arg0: i32) -> (i32, i32) {
    %c0_i32 = arith.constant 0 : i32
    %c0_i32_0 = arith.constant 0 : i32
    return %arg0, %c0_i32 : i32, i32
  }
  func.func @transform_1(%arg0: i32) -> (i32, i32) {
    %c0_i32 = arith.constant 0 : i32
    %c0_i32_0 = arith.constant 0 : i32
    return %arg0, %c0_i32 : i32, i32
  }
}

module attributes {stable_mosaic.version = 14 : i64} {
  func.func @_combine_body(%arg0: i32, %arg1: memref<1000x128xf32, #tpu.memory_space<vmem>>, %arg2: memref<128x128xf32, #tpu.memory_space<vmem>>, %arg3: memref<1x128xf32, #tpu.memory_space<vmem>>, %arg4: memref<1000x128xf32, #tpu.memory_space<vmem>>, %arg5: memref<1000x128xf32, #tpu.memory_space<vmem>>, %arg6: memref<1000x128xf32, #tpu.memory_space<vmem>>) attributes {dimension_semantics = [#tpu.dimension_semantics<arbitrary>], iteration_bounds = array<i64: 10>, scalar_prefetch = 0 : i64, scratch_operands = 0 : i64, tpu.core_type = #tpu.core_type<tc>, window_params = [{transform_indices = @transform_0, window_bounds = array<i64: 1000, 128>}, {pipeline_mode = #tpu.pipeline_mode<synchronous>, transform_indices = @transform_1, window_bounds = array<i64: 128, 128>}, {pipeline_mode = #tpu.pipeline_mode<synchronous>, transform_indices = @transform_2, window_bounds = array<i64: 1, 128>}, {transform_indices = @transform_3, window_bounds = array<i64: 1000, 128>}, {transform_indices = @transform_4, window_bounds = array<i64: 1000, 128>}, {transform_indices = @transform_5, window_bounds = array<i64: 1000, 128>}]} {
    %get3A = arith.constant 0 : index
    %get3A_0 = arith.constant 0 : index
    %get3A_1 = vector.load %arg1[%get3A, %get3A_0] : memref<1000x128xf32, #tpu.memory_space<vmem>>, vector<1000x128xf32>
    %get3A_2 = arith.constant 0 : index
    %get3A_3 = arith.constant 0 : index
    %get3A_4 = vector.load %arg2[%get3A_2, %get3A_3] : memref<128x128xf32, #tpu.memory_space<vmem>>, vector<128x128xf32>
    %dot_general3A = arith.constant dense<0.000000e+00> : vector<1000x128xf32>
    %dot_general3A_5 = tpu.matmul %get3A_1, %get3A_4, %dot_general3A {dimension_numbers = #tpu.dot_dimension_numbers<[1], [0], [0], [1], [0, 0, 1, 1], [], []>, transpose_lhs_hint = false} : vector<1000x128xf32>, vector<128x128xf32>, vector<1000x128xf32> -> vector<1000x128xf32>
    %get3A_6 = arith.constant 0 : index
    %get3A_7 = arith.constant 0 : index
    %get3A_8 = vector.load %arg3[%get3A_6, %get3A_7] : memref<1x128xf32, #tpu.memory_space<vmem>>, vector<1x128xf32>
    %add3A = vector.broadcast %get3A_8 : vector<1x128xf32> to vector<1000x128xf32>
    %add3A_9 = arith.addf %dot_general3A_5, %add3A : vector<1000x128xf32>
    %get3A_10 = arith.constant 0 : index
    %get3A_11 = arith.constant 0 : index
    %get3A_12 = vector.load %arg4[%get3A_10, %get3A_11] : memref<1000x128xf32, #tpu.memory_space<vmem>>, vector<1000x128xf32>
    %get3A_13 = arith.constant 0 : index
    %get3A_14 = arith.constant 0 : index
    %get3A_15 = vector.load %arg5[%get3A_13, %get3A_14] : memref<1000x128xf32, #tpu.memory_space<vmem>>, vector<1000x128xf32>
    %mul3A = arith.mulf %get3A_12, %get3A_15 : vector<1000x128xf32>
    %add3A_16 = arith.addf %add3A_9, %mul3A : vector<1000x128xf32>
    %swap3A = arith.constant 0 : index
    %swap3A_17 = arith.constant 0 : index
    %swap3A_18 = vector.load %arg6[%swap3A, %swap3A_17] : memref<1000x128xf32, #tpu.memory_space<vmem>>, vector<1000x128xf32>
    tpu.vector_store %arg6[%swap3A, %swap3A_17], %add3A_16 {strides = array<i32>} : memref<1000x128xf32, #tpu.memory_space<vmem>>, vector<1000x128xf32>,
    return
  }
  func.func @transform_0(%arg0: i32) -> (i32, i32) {
    %c0_i32 = arith.constant 0 : i32
    %c0_i32_0 = arith.constant 0 : i32
    return %arg0, %c0_i32 : i32, i32
  }
  func.func @transform_1(%arg0: i32) -> (i32, i32) {
    %c0_i32 = arith.constant 0 : i32
    %c0_i32_0 = arith.constant 0 : i32
    %c0_i32_1 = arith.constant 0 : i32
    return %c0_i32, %c0_i32_0 : i32, i32
  }
  func.func @transform_2(%arg0: i32) -> (i32, i32) {
    %c0_i32 = arith.constant 0 : i32
    %c0_i32_0 = arith.constant 0 : i32
    %c0_i32_1 = arith.constant 0 : i32
    return %c0_i32, %c0_i32_0 : i32, i32
  }
  func.func @transform_3(%arg0: i32) -> (i32, i32) {
    %c0_i32 = arith.constant 0 : i32
    %c0_i32_0 = arith.constant 0 : i32
    return %arg0, %c0_i32 : i32, i32
  }
  func.func @transform_4(%arg0: i32) -> (i32, i32) {
    %c0_i32 = arith.constant 0 : i32
    %c0_i32_0 = arith.constant 0 : i32
    return %arg0, %c0_i32 : i32, i32
  }
  func.func @transform_5(%arg0: i32) -> (i32, i32) {
    %c0_i32 = arith.constant 0 : i32
    %c0_i32_0 = arith.constant 0 : i32
    return %arg0, %c0_i32 : i32, i32
  }
}

</mosaic_0001>

<sc_bundles>
// kernel: kernel.7.cloned.1.call-start
scs
__scs_entry_jumppad:
0x0: {  	(pc) =	sbr.rel $0x88, $3  }
0x1: {  	(tag) =	ssettag $0x0;
	lr =	simm.s32 $0x1  }
0x2: {  	[smem:$0x3F98] =	sst lr;
	_ =	strace $0xD0000000  }
0x3: {  	_ = 	snop  }
0x4: {  	_ = 	snop  }
0x5: {  	_ = 	snop  }
0x6: {  	_ = 	snop  }
0x7: {  	_ = 	snop  }
__scs_overlays_trampoline_lowered:
0x8: {  	[smem:$0x3FA7] =	sst s0  }
0x9: {  	[smem:$0x3FA8] =	sst s1  }
0xa: {  	[smem:$0x3FA9] =	sst s2  }
0xb: {  	[smem:$0x3FAA] =	sst s3  }
0xc: {  	[smem:$0x3FAB] =	sst s4  }
0xd: {  	[smem:$0x3FAC] =	sst s5  }
0xe: {  	[smem:$0x3FAD] =	sst s6  }
0xf: {  	[smem:$0x3FAE] =	sst s7  }
0x10: {  	[smem:$0x3FAF] =	sst s8  }
0x11: {  	[smem:$0x3FB0] =	sst s9;
	s0 =	simm.s32 @!p0 $0x0  }
0x12: {  	s1 =	sld [smem:$0x3F96];
	s0 =	simm.s32 @p0 $0x1  }
0x13: {  	[smem:$0x3FB1] =	sst s0;
	s0 =	simm.s32 @!p1 $0x0  }
0x14: {  	s2 =	sld [smem:$0x3F95];
	s0 =	simm.s32 @p1 $0x1  }
0x15: {  	[smem:$0x3FB2] =	sst s0;
	s0 =	simm.s32 @!p2 $0x0  }
0x16: {  	s3 =	sld [smem:$0x3FDB];
	s0 =	simm.s32 @p2 $0x1  }
0x17: {  	s4 =	simm.s32 $0x1BF5;
	[smem:$0x3FB4] =	sst s0  }
0x18: {  	s0 =	sld [smem:$0x3F97];
	_ =	swait.ge [sflag:s4], $0x0  }
0x19: {  	s7 =	sld [smem:$0x3F98]  }
0x1a: {  	s8 =	sadd.s32 $0xFFFFE003, lr  }
0x1b: {  	s9 =	sadd.s32 $0xFFFFFEF7, lr;
	s5 =	simm.s32 $0xFFFFFFFF;
	p2 =	slt.u32 s8, $0xFFFFF086  }
0x1c: {  	p1 =	slt.u32 s9, $0xF7A;
	s5 =	simm.s32 @!p2 $0x0  }
0x1d: {  	s5 =	simm.s32 @p1 $0x1;
	p0 =	seq.s32 s7, s2  }
0x1e: {  	s7 =	smul.u32 @!p0 $0xF7A, s2;
	p2 =	seq.s32 @!p0 s5, $0x0  }
0x1f: {  	s9 =	smul.u32 $0xF7A, s1;
	s8 =	simm.s32 @!p0 $0x1BF5;
	p2 =	por !p2, p0  }
0x20: {  	[sflag:s8] =	ssyncset.s32 @!p0 $0xFFFFF086;
	s6 =	sadd.s32 @!p0 s3, s7;
	s7 =	simm.s32 @!p0 $0x108  }
0x21: {  	s3 =	sadd.s32 s3, s9;
	s6 =	sadd.s32 @!p0 $0x88, s6;
	s7 =	simm.s32 @p2 $0x1082  }
0x22: {  	[simem:s7], [sflag:s8] =	dma.local @!p0 [hbm:s6], $0xF7A  }
0x23: {  	s9 =	sor.u32 $0xD0000000, s2;
	s6 =	simm.s32 $0x108;
	_ =	swait.ge @!p0 [sflag:s8], $0x0  }
0x24: {  	s3 =	sadd.s32 $0x88, s3;
	s6 =	simm.s32 @!p1 $0x1082;
	[sflag:s4] =	ssyncset.s32 $0xFFFFF086  }
0x25: {  	[simem:s6], [sflag:s4] =	dma.local [hbm:s3], $0xF7A  }
0x26: {  	[smem:$0x3F98] =	sst s1;
	(tag) =	ssettag s2;
	_ =	strace s9  }
0x27: {  	s1 =	sld [smem:$0x3FA8]  }
0x28: {  	s2 =	sld [smem:$0x3FA9]  }
0x29: {  	s4 =	sld [smem:$0x3FAB]  }
0x2a: {  	p0 =	seq.s32 s5, $0x0;
	s5 =	sld [smem:$0x3FAC]  }
0x2b: {  	s6 =	sld [smem:$0x3FAD]  }
0x2c: {  	s7 =	sld [smem:$0x3FAE]  }
0x2d: {  	s3 =	simm.s32 $0x108;
	s8 =	sld [smem:$0x3FAF]  }
0x2e: {  	s3 =	simm.s32 @!p0 $0x1082;
	s9 =	sld [smem:$0x3FB0]  }
0x2f: {  	lr =	sadd.s32 s0, s3;
	s0 =	sld [smem:$0x3FA7]  }
0x30: {  	s3 =	sld [smem:$0x3FAA]  }
0x31: {  	[smem:$0x3FB3] =	sst s10  }
0x32: {  	s10 =	sld [smem:$0x3FB1];
	_ =	sdelay $0x3  }
0x33: {  	p0 =	seq.s32 s10, $0x1;
	s10 =	sld [smem:$0x3FB3];
	_ =	sdelay $0x3  }
0x34: {  	[smem:$0x3FB3] =	sst s10  }
0x35: {  	s10 =	sld [smem:$0x3FB2];
	_ =	sdelay $0x3  }
0x36: {  	p1 =	seq.s32 s10, $0x1;
	s10 =	sld [smem:$0x3FB3];
	_ =	sdelay $0x3  }
0x37: {  	[smem:$0x3FB3] =	sst s10  }
0x38: {  	s10 =	sld [smem:$0x3FB4]  }
0x39: {  	_ = 	snop;
	(pc) =	sbr.ind lr, $3  }
0x3a: {  	_ = 	snop  }
0x3b: {  	_ = 	snop  }
0x3c: {  	p2 =	seq.s32 s10, $0x1;
	s10 =	sld [smem:$0x3FB3]  }
0x3d: {  	_ =	shalt  }
0x3e: {  	_ =	shalt  }
0x3f: {  	_ =	shalt  }
0x40: {  	_ =	shalt  }
0x41: {  	_ =	shalt  }
0x42: {  	_ =	shalt  }
0x43: {  	_ =	shalt  }
0x44: {  	_ =	shalt  }
0x45: {  	_ =	shalt  }
0x46: {  	_ =	shalt  }
0x47: {  	_ =	shalt  }
0x48: {  	_ =	shalt  }
0x49: {  	_ =	shalt  }
0x4a: {  	_ =	shalt  }
0x4b: {  	_ =	shalt  }
0x4c: {  	_ =	shalt  }
0x4d: {  	_ =	shalt  }
0x4e: {  	_ =	shalt  }
0x4f: {  	_ =	shalt  }
0x50: {  	_ =	shalt  }
0x51: {  	_ =	shalt  }
0x52: {  	_ =	shalt  }
0x53: {  	_ =	shalt  }
0x54: {  	_ =	shalt  }
0x55: {  	_ =	shalt  }
0x56: {  	_ =	shalt  }
0x57: {  	_ =	shalt  }
0x58: {  	_ =	shalt  }
0x59: {  	_ =	shalt  }
0x5a: {  	_ =	shalt  }
0x5b: {  	_ =	shalt  }
0x5c: {  	_ =	shalt  }
0x5d: {  	_ =	shalt  }
0x5e: {  	_ =	shalt  }
0x5f: {  	_ =	shalt  }
0x60: {  	_ =	shalt  }
0x61: {  	_ =	shalt  }
0x62: {  	_ =	shalt  }
0x63: {  	_ =	shalt  }
0x64: {  	_ =	shalt  }
0x65: {  	_ =	shalt  }
0x66: {  	_ =	shalt  }
0x67: {  	_ =	shalt  }
0x68: {  	_ =	shalt  }
0x69: {  	_ =	shalt  }
0x6a: {  	_ =	shalt  }
0x6b: {  	_ =	shalt  }
0x6c: {  	_ =	shalt  }
0x6d: {  	_ =	shalt  }
0x6e: {  	_ =	shalt  }
0x6f: {  	_ =	shalt  }
0x70: {  	_ =	shalt  }
0x71: {  	_ =	shalt  }
0x72: {  	_ =	shalt  }
0x73: {  	_ =	shalt  }
0x74: {  	_ =	shalt  }
0x75: {  	_ =	shalt  }
0x76: {  	_ =	shalt  }
0x77: {  	_ =	shalt  }
0x78: {  	_ =	shalt  }
0x79: {  	_ =	shalt  }
0x7a: {  	_ =	shalt  }
0x7b: {  	_ =	shalt  }
0x7c: {  	_ =	shalt  }
0x7d: {  	_ =	shalt  }
0x7e: {  	_ =	shalt  }
0x7f: {  	_ =	shalt  }
0x80: {  	_ =	shalt  }
0x81: {  	_ =	shalt  }
0x82: {  	_ =	shalt  }
0x83: {  	_ =	shalt  }
0x84: {  	_ =	shalt  }
0x85: {  	_ =	shalt  }
0x86: {  	_ =	shalt  }
0x87: {  	_ =	shalt  }
.Lfunc_end0:
.L_simem_size_0:
called_computation_lowered:
.L_overlay_start_0:
0x88: {  	s2 =	sld [smem:$0x3FD9]  }
0x89: {  	s3 =	sld [smem:$0x3FFE];
	_ =	sdelay $0x1  }
0x8a: {  	s1 =	srdreg.scid  }
0x8b: {  	s0 =	sand.u32 $0x1, s1  }
0x8c: {  	s17 =	sshll.u32 s0, $0xA;
	s2 =	sadd.s32 s3, s2  }
0x8d: {  	s2 =	sadd.s32 s2, s17  }
0x8e: {  	[smem:$0x3FBF] =	sst s2  }
0x8f: {  	_ = 	snop  }
0x90: {  	s2 =	sld [smem:$0x3FD0];
	(tm) =	ssettm $0x1  }
0x91: {  	s18 =	sld [smem:$0x3FFB];
	_ =	sdelay $0x3  }
0x92: {  	_ =	strace s18  }
0x93: {  	s3 =	sld [smem:$0x3FFC];
	_ =	sdelay $0x3  }
0x94: {  	_ =	strace s3  }
0x95: {  	s3 =	sld [smem:$0x3FFD];
	_ =	sdelay $0x3  }
0x96: {  	_ =	strace s3  }
0x97: {  	_ =	strace $0x8FFFFFFF  }
0x98: {  	s19 =	sld [smem:$0x3FDB];
	_ =	sdelay $0x1  }
0x99: {  	s4 =	simm.s32 $_scs_section_size  }
0x9a: {  	s5 =	simm.s32 $_size__tile_overlayer_lowered;
	s6 =	simm.s32 $_tile_overlayer_lowered  }
0x9b: {  	s22 =	simm.s32 $0x1BFF;
	s21 =	sshll.u32 s6, $0x1;
	s3 =	sadd.s32 s4, s19  }
0x9c: {  	s7 =	simm.s32 $0x0;
	s20 =	sshll.u32 s5, $0x1;
	s5 =	sadd.s32 s21, s3  }
0x9d: {  	[timem:s7], [sflag:s22] =	dma.local [hbm:s5], s20  }
0x9e: {  	_ =	swait.ge [sflag:s22], s20  }
0x9f: {  	s4 =	ssub.s32 $0x0, s20;
	[sflag:s22] =	ssyncset.done $0x0  }
0xa0: {  	[sflag:s22] =	ssyncadd.s32 s4;
	_ =	sdelay $0x1  }
0xa1: {  	s23 =	simm.s32 $0x1B8B  }
0xa2: {  	_ =	swait.ge [sflag:s23], $0x1  }
0xa3: {  	[sflag:s23] =	ssyncset.done $0x0  }
0xa4: {  	s25 =	simm.s32 $0x1B8E;
	s24 =	sld [smem:$0x3FFE];
	[sflag:s23] =	ssyncadd.s32 $0xFFFFFFFF  }
0xa5: {  	s26 =	simm.s32 $execute0_lowered;
	[smem:$0x3FD2] =	sst s25  }
0xa6: {  	s5 =	sshll.u32 s26, $0x1;
	_ =	strace $0x80000046;
	[dreg:$0x1] =	wrdreg $0xFFFFFFFF  }
0xa7: {  	s28 =	simm.s32 $_size_execute0_lowered;
	s3 =	sadd.s32 s3, s5;
	[dreg:$0x0] =	wrdreg $0x0  }
0xa8: {  	s5 =	sshll.u32 s28, $0x1;
	[dreg:$0x2] =	wrdreg s3  }
0xa9: {  	[dreg:$0x3] =	wrdreg s5  }
0xaa: {  	[dreg:$0x4] =	wrdreg $0xC0  }
0xab: {  	_ =	task [dreg:s7], $0x5FFFF  }
0xac: {  	[dreg:$0x1] =	wrdreg $0xFFFFFFFF  }
0xad: {  	[dreg:$0x0] =	wrdreg $0x60  }
0xae: {  	[dreg:$0x2] =	wrdreg s24  }
0xaf: {  	[dreg:$0x3] =	wrdreg s2  }
0xb0: {  	[dreg:$0x4] =	wrdreg $0x9  }
0xb1: {  	_ =	task.clear_ibuf [dreg:s7], $0x5FFFF;
	_ =	strace $0x90000046  }
0xb2: {  	s29 =	simm.s32 $0x9;
	_ =	strace $0x80000048  }
0xb3: {  	_ =	swait.ge [sflag:s29], $0x1  }
0xb4: {  	[sflag:s29] =	ssyncadd.s32 $0xFFFFFFFF  }
0xb5: {  	_ =	strace $0x90000048  }
0xb6: {  	_ =	sfence  }
0xb7: {  	s30 =	sld [smem:$0x0];
	_ =	sdelay $0x2  }
0xb8: {  	s31 =	sshll.u32 s1, $0xD;
	s1 =	sshrl.u32 s1, $0x2  }
0xb9: {  	s3 =	sand.u32 $0x4000, s31;
	s1 =	sadd.s32 s1, s30  }
0xba: {  	s0 =	sor.u32 s3, s0;
	s1 =	sshll.u32 s1, $0x11  }
0xbb: {  	s0 =	sor.u32 s1, s0  }
0xbc: {  	s0 =	sadd.s32 $0x8F2B, s0  }
0xbd: {  	[sflag:s0] =	ssyncadd.remote.s32 $0x1  }
0xbe: {  	_ =	sfence.sel $0xFFFF  }
0xbf: {  	[dreg:$0x0] =	wrdreg $0xFFFFFFFF;
	(pc) =	sbr.abs _section_cstart, $3  }
0xc0: {  	[dreg:$0x1] =	wrdreg $0xFFFFFFFF  }
0xc1: {  	_ =	task.clear_ibuf [dreg:s7], $0x2FFFF;
	_ =	strace $0x9FFFFFFF  }
0xc2: {  	(tm) =	ssettm $0x7FFFFFFF  }
0xc3: {  	_ =	shalt  }
tec
execute0_lowered:
.L_overlay_start_1:
0x0: {  	(tag) =	ssettag $0x1  }
0x1: {  	s0 =	rddreg [dreg:$0x0]  }
0x2: {  	s1 =	rddreg [dreg:$0x1];
	s2 =	simm.s32 $0x0  }
0x3: {  	s23 =	srdreg.scid;
	s8 =	stileid.u32;
	s15 =	simm.s32 $0xC3A0  }
0x4: {  	s16 =	simm.s32 $0x1;
	s17 =	simm.s32 $0x40;
	s18 =	simm.s32 $0xE320  }
0x5: {  	s19 =	simm.s32 $0xE360;
	s20 =	simm.s32 $0xEFA0;
	s29 =	simm.s32 $0x0  }
0x6: {  	[smem:$0x7FF] =	sst s2;
	s21 =	sadd.s32 $0xB400, s0;
	s22 =	sadd.s32 $0x1600, s0  }
0x7: {  	s5 =	sadd.s32 $0x15200, s0;
	s6 =	sadd.s32 $0x1A200, s0;
	s2 =	sand.u32 $0x1, s23  }
0x8: {  	s9 =	sshll.u32 s8, $0x1;
	s7 =	sadd.s32 $0x1F200, s0;
	s10 =	sadd.s32 $0xC0600, s0  }
0x9: {  	s0 =	sadd.s32 $0xBB600, s0;
	_ =	strace $0x80000047;
	[dreg:$0x3] =	wrdreg s21  }
0xa: {  	p0 =	seq.s32 s8, $0x0;
	[dreg:$0x4] =	wrdreg s22;
	s9 =	sor.u32 s2, s9  }
0xb: {  	s2 =	ssub.s32 $0x2, s2;
	s11 =	smul.u32 $0x138, s9;
	s9 =	smin.u32 s9, $0x2  }
0xc: {  	s21 =	simm.s32 $0x10FA0;
	s12 =	sshrl.u32 s2, $0x1;
	s9 =	sshll.u32 s9, $0x3  }
0xd: {  	s2 =	ssub.s32 s2, s12;
	s9 =	sadd.s32 s11, s9;
	s11 =	simm.s32 $0x140  }
0xe: {  	s31 =	smax.u32 s2, $0x1;
	s11 =	simm.s32 @!p0 $0x138;
	s24 =	sshll.u32 s9, $0x4  }
0xf: {  	s25 =	sadd.s32 $0x138, s9;
	s13 =	sshll.u32 s9, $0x1;
	[dreg:$0x9] =	wrdreg s31  }
0x10: {  	p0 =	sne.s32 s8, $0x0;
	s11 =	sadd.s32 s11, s9;
	s3 =	sadd.s32 s10, s24  }
.Ltmp0:
0x11: {  	s14 =	sshll.u32 s25, $0x4;
	s12 =	sshll.u32 s25, $0x1;
	(pc) =	sbr.rel .LBB2_1-.Ltmp0, $4  }
0x12: {  	s26 =	sadd.s32 s0, s13;
	[dreg:$0x5] =	wrdreg s3;
	s28 =	sand.u32 $0x1FFFFF80, s14  }
0x13: {  	v2 =	vimm.f32 $0.0e+00;
	v3 =	vimm.s32 $0x0;
	[dreg:$0x6] =	wrdreg s26;
	s12 =	sand.u32 $0x1FFFFFF0, s12;
	s30 =	sadd.s32 s10, s28  }
0x14: {  	vm1 =	vcmask $0x300;
	v4 =	vlaneseq.u32;
	vm0 =	vmmov $0xf;
	s13 =	simm.s32 $0xB400;
	s0 =	sadd.s32 s0, s12;
	[dreg:$0x7] =	wrdreg s30  }
0x15: {  	v5 =	vsel vm1, $0x3, v3;
	v0 =	vmov s9;
	s14 =	simm.s32 $0x2;
	v1 =	vmov s11;
	s3 =	simm.s32 $0x0;
	[dreg:$0x8] =	wrdreg s0  }
.LBB2_16:
0x16: {  	s0 =	simm.s32 $0x0;
	s2 =	rddreg [dreg:$0x5]  }
0x17: {  	[hbm4b:s2+s0] =	stream.linear.scatter [tilespmem:s0], [sflag:$0x2], $0x9C00, $0x38;
	[tilespmem:$0x113F0] =	vst v63  }
0x18: {  	_ =	swait.ge [sflag:s14], $0x9C00  }
0x19: {  	[sflag:s14] =	ssyncset.done $0x0  }
0x1a: {  	s3 =	simm.s32 $0xA000;
	s28 =	rddreg [dreg:$0x6];
	[sflag:s14] =	ssyncadd.s32 $0xFFFF6400  }
0x1b: {  	[hbm4b:s28+s0] =	stream.linear.scatter [tilespmem:s3], [sflag:$0x2], $0x1380, $0x38;
	[tilespmem:$0x113F0] =	vst v63  }
0x1c: {  	_ =	swait.ge [sflag:s14], $0x1380  }
0x1d: {  	s2 =	simm.s32 @!p0 $0x9C00;
	[sflag:s14] =	ssyncset.done $0x0  }
0x1e: {  	s0 =	simm.s32 @!p0 $0x0;
	s3 =	rddreg [dreg:$0x7];
	[sflag:s14] =	ssyncadd.s32 $0xFFFFEC80  }
0x1f: {  	[hbm4b:s3+s0] =	stream.linear.scatter @!p0 [tilespmem:s2], [sflag:$0x2], $0x400, $0x38;
	[tilespmem:$0x113F0] =	vst v63  }
0x20: {  	s2 =	simm.s32 @!p0 $0x2  }
0x21: {  	_ =	swait.ge @!p0 [sflag:s2], $0x400  }
0x22: {  	[sflag:s2] =	ssyncset.done @!p0 $0x0  }
0x23: {  	s3 =	simm.s32 @!p0 $0xB380;
	s4 =	rddreg [dreg:$0x8];
	[sflag:s2] =	ssyncadd.s32 @!p0 $0xFFFFFC00  }
0x24: {  	[hbm4b:s4+s0] =	stream.linear.scatter @!p0 [tilespmem:s3], [sflag:$0x2], $0x80, $0x38;
	[tilespmem:$0x113F0] =	vst v63  }
0x25: {  	_ =	swait.ge @!p0 [sflag:s2], $0x80  }
0x26: {  	s30 =	rddreg [dreg:$0xa]  }
0x27: {  	s31 =	rddreg [dreg:$0x9];
	s3 =	sadd.s32 $0x1, s30  }
0x28: {  	p1 =	sne.s32 s3, s31  }
.Ltmp1:
0x29: {  	_ = 	snop;
	(pc) =	sbr.rel @!p1 .LBB2_17-.Ltmp1, $3  }
0x2a: {  	_ =	sdelay $0x1  }
0x2b: {  	[sflag:s2] =	ssyncset.done @!p0 $0x0  }
0x2c: {  	[sflag:s2] =	ssyncadd.s32 @!p0 $0xFFFFFF80  }
.LBB2_1:
0x2d: {  	[tilespmem:s17+$0xFFFFFFD0] =	vst v2  }
0x2e: {  	[tilespmem:s17+$0xFFFFFFE0] =	vst v2  }
0x2f: {  	[tilespmem:s17+$0xFFFFFFF0] =	vst v2  }
0x30: {  	[tilespmem:s17+$0x0] =	vst v2  }
0x31: {  	[tilespmem:s17+$0x10] =	vst v2  }
0x32: {  	[tilespmem:s17+$0x20] =	vst v2  }
0x33: {  	[tilespmem:s17+$0x30] =	vst v2  }
0x34: {  	[tilespmem:s17+$0xFFFFFFC0] =	vst v2;
	s8 =	simm.s32 $0x0;
	s0 =	simm.s32 $0x40;
	s2 =	simm.s32 $0x40  }
.LBB2_2:
0x35: {  	p1 =	sne.s32 s0, $0x4FC0;
	[tilespmem:s8+$0xA000] =	vst v2;
	s2 =	sadd.s32 $0x80, s2  }
0x36: {  	[tilespmem:s2+$0xFFFFFFD0] =	vst v2  }
0x37: {  	[tilespmem:s2+$0xFFFFFFE0] =	vst v2  }
0x38: {  	[tilespmem:s2+$0xFFFFFFF0] =	vst v2  }
.Ltmp2:
0x39: {  	[tilespmem:s2+$0x0] =	vst v2;
	(pc) =	sbr.rel @p1 .LBB2_2-.Ltmp2, $4  }
0x3a: {  	[tilespmem:s2+$0x10] =	vst v2  }
0x3b: {  	[tilespmem:s2+$0x20] =	vst v2  }
0x3c: {  	[tilespmem:s2+$0x30] =	vst v2  }
0x3d: {  	s8 =	sshra.s32 s0, $0x2;
	s0 =	sadd.s32 $0x40, s0;
	[tilespmem:s2+$0xFFFFFFC0] =	vst v2  }
0x3e: {  	[tilespmem:s8+$0xA000] =	vst v2;
	s24 =	simm.s32 $0x0;
	s0 =	simm.s32 $0x40;
	s2 =	simm.s32 $0x0  }
.LBB2_4:
0x3f: {  	p1 =	sne.s32 s0, $0x3F40;
	[tilespmem:s2+$0xD340] =	vst v3;
	s2 =	smov.u32 s0;
	s0 =	sadd.s32 $0x40, s0  }
.Ltmp3:
0x40: {  	(pc) =	sbr.rel @p1 .LBB2_4-.Ltmp3, $2  }
0x41: {  	_ =	sdelay $0x2  }
0x42: {  	s2 =	sshra.s32 s2, $0x2  }
.Ltmp4:
0x43: {  	(pc) =	sbr.rel .LBB2_6-.Ltmp4, $2  }
0x44: {  	_ =	sdelay $0x2  }
0x45: {  	[dreg:$0xa] =	wrdreg s3;
	[tilespmem:s2+$0xD340] =	vst v3;
	s25 =	simm.s32 $0x0  }
.LBB2_15:
0x46: {  	s25 =	sadd.s32 $0x1, s25  }
0x47: {  	p1 =	sne.s32 s25, $0x50  }
.Ltmp5:
0x48: {  	_ = 	snop;
	(pc) =	sbr.rel @!p1 .LBB2_16-.Ltmp5, $2  }
0x49: {  	_ =	sdelay $0x2  }
0x4a: {  	s24 =	sadd.s32 $0xFA0, s24  }
.LBB2_6:
0x4b: {  	s0 =	smul.u32 $0xFA0, s25;
	_ =	sdelay $0x1  }
0x4c: {  	s2 =	rddreg [dreg:$0x3];
	s8 =	sshrl.u32 s0, $0x3  }
0x4d: {  	s9 =	sadd.s32 s2, s8;
	s2 =	simm.s32 $0x0  }
0x4e: {  	[tilespmem:s13], [sflag:$0x2] =	stream.linear.gather [hbm4b:s9+s2], $0xFA0, $0x38;
	[tilespmem:$0x113F0] =	vst v63  }
0x4f: {  	_ =	swait.ge [sflag:s14], $0xFA0  }
0x50: {  	[sflag:s14] =	ssyncset.done $0x0;
	s3 =	rddreg [dreg:$0x4]  }
0x51: {  	[sflag:s14] =	ssyncadd.s32 $0xFFFFF060;
	s8 =	sadd.s32 s3, s8  }
0x52: {  	[tilespmem:s15], [sflag:$0x2] =	stream.linear.gather [hbm4b:s8+s2], $0xFA0, $0x38;
	[tilespmem:$0x113F0] =	vst v63  }
0x53: {  	_ =	swait.ge [sflag:s14], $0xFA0  }
0x54: {  	[sflag:s14] =	ssyncset.done $0x0  }
0x55: {  	s31 =	simm.s32 $0x0;
	[sflag:s14] =	ssyncadd.s32 $0xFFFFF060  }
0x56: {  	v6 =	vld [tilespmem:s31+$0xB400];
	_ =	sdelay $0x4  }
0x57: {  	vm1 =	vge.s32 v6, v0;
	vm2 =	vlt.s32 v6, v1  }
0x58: {  	vm1 =	vmand vm1, vm2  }
0x59: {  	v6 =	vsel vm1, $0x1, v3  }
0x5a: {  	(xrf0) =	vadd.scan.msk.s32 $0xffff, v6;
	_ =	sdelay $0x5  }
0x5b: {  	v7, _, _ =	vpop (xrf0)  }
0x5c: {  	v6 =	vor.u32 s24, v4;
	(v2sf) =	vpush v7, $0xF  }
0x5d: {  	s10 =	simm.s32 $0x10;
	s9 =	simm.s32 $0x80;
	s8 =	smov.u32 s24;
	[tilespmem:s2+$0xD340] =	vst.msk vm1, v6  }
.LBB2_7:
0x5e: {  	p1 =	sne.s32 s9, $0x3E40;
	v6 =	vld [tilespmem:s10+$0xB400];
	_ =	sdelay $0x4  }
0x5f: {  	vm1 =	vge.s32 v6, v0;
	vm2 =	vlt.s32 v6, v1  }
0x60: {  	vm1 =	vmand vm1, vm2  }
0x61: {  	v6 =	vsel vm1, $0x1, v3  }
0x62: {  	(xrf0) =	vadd.scan.msk.s32 $0xffff, v6;
	_ =	sdelay $0x3  }
.Ltmp6:
0x63: {  	(pc) =	sbr.rel @p1 .LBB2_7-.Ltmp6, $4  }
0x64: {  	s8 =	sadd.s32 $0x10, s8;
	s10 =	spop (v2sf)  }
0x65: {  	v6 =	vor.u32 s8, v4;
	v7, _, _ =	vpop (xrf0);
	s2 =	sadd.s32 s2, s10  }
0x66: {  	[tilespmem:s2+$0xD340] =	vst.msk vm1, v6;
	(v2sf) =	vpush v7, $0xF  }
0x67: {  	s10 =	sshra.s32 s9, $0x2;
	s9 =	sadd.s32 $0x40, s9  }
0x68: {  	v6 =	vld [tilespmem:s10+$0xB400];
	_ =	sdelay $0x4  }
0x69: {  	vm1 =	vge.s32 v6, v0;
	vm2 =	vlt.s32 v6, v1  }
0x6a: {  	vm1 =	vmand vm1, vm2  }
0x6b: {  	v6 =	vsel vm1, $0x1, v3  }
0x6c: {  	(xrf0) =	vadd.scan.msk.s32 $0xffff, v6;
	_ =	sdelay $0x5  }
0x6d: {  	v6, _, _ =	vpop (xrf0)  }
0x6e: {  	(v2sf) =	vpush v6, $0xF;
	_ =	sdelay $0xd  }
0x6f: {  	s9 =	spop (v2sf)  }
0x70: {  	s2 =	sadd.s32 s2, s9;
	s26 =	spop (v2sf)  }
0x71: {  	s26 =	sadd.s32 s2, s26  }
0x72: {  	s9 =	sadd.s32 $0x3F, s26  }
0x73: {  	s30 =	sand.u32 $0x3F, s9  }
0x74: {  	s31 =	sshra.s32 s9, $0x1F;
	p2 =	slt.s32 s9, $0x1;
	p1 =	sne.s32 s30, $0x0  }
0x75: {  	s10 =	sshrl.u32 s31, $0x1A;
	p1 =	por !p2, !p1  }
0x76: {  	s9 =	sadd.s32 s10, s9;
	s10 =	simm.s32 $0x1;
	p1 =	por !p1, !p1  }
0x77: {  	s9 =	sshra.s32 s9, $0x6;
	s10 =	simm.s32 @!p1 $0x0  }
0x78: {  	s28 =	ssub.s32 s9, s10  }
0x79: {  	p1 =	slt.s32 s28, $0x1  }
.Ltmp7:
0x7a: {  	_ = 	snop;
	(pc) =	sbr.rel @p1 .LBB2_15-.Ltmp7, $4  }
0x7b: {  	_ = 	snop  }
0x7c: {  	s8 =	sadd.s32 $0x10, s8  }
0x7d: {  	v6 =	vor.u32 s8, v4  }
0x7e: {  	[tilespmem:s2+$0xD340] =	vst.msk vm1, v6  }
.Ltmp8:
0x7f: {  	(pc) =	sbr.rel .LBB2_10-.Ltmp8, $2  }
0x80: {  	_ =	sdelay $0x2  }
0x81: {  	v6 =	vmov s0;
	s30 =	smov.u32 s26;
	s31 =	simm.s32 $0x0  }
.LBB2_13:
0x82: {  	[tilespmem:s23+$0x70] =	vst v7  }
.LBB2_14:
0x83: {  	s31 =	sadd.s32 $0x1, s31  }
0x84: {  	p1 =	sne.s32 s31, s28  }
.Ltmp9:
0x85: {  	_ = 	snop;
	(pc) =	sbr.rel @!p1 .LBB2_15-.Ltmp9, $2  }
0x86: {  	_ =	sdelay $0x2  }
0x87: {  	s30 =	sadd.s32 $0xFFFFFFC0, s30  }
.LBB2_10:
0x88: {  	s0 =	sshll.u32 s31, $0x6  }
0x89: {  	v7 =	vld [tilespmem:s0+$0xD340];
	_ =	sdelay $0x4  }
0x8a: {  	v7 =	vsub.s32 v7, v6  }
0x8b: {  	vm1 =	vgt.s32 v7, $0x0  }
0x8c: {  	v7 =	vnsel vm1, $0x0, v7  }
0x8d: {  	v7 =	vmin.u32 v7, $0xF9F;
	_ =	sdelay $0x4  }
0x8e: {  	v8 =	vld.idx.msk [tilespmem:v7+s15+$0x0], $0xffff  }
0x8f: {  	v7 =	vld.idx.msk [tilespmem:v7+s13+$0x0], $0xffff;
	_ =	sdelay $0x3  }
0x90: {  	[tilespmem:$0xE320] =	vst v8  }
0x91: {  	[tilespmem:$0xE360] =	vst v7;
	v7 =	vsub.s32 v7, v0  }
0x92: {  	[tilespmem:$0x113A0] =	vst v7  }
0x93: {  	v7 =	vld [tilespmem:s0+$0xD350];
	_ =	sdelay $0x4  }
0x94: {  	v7 =	vsub.s32 v7, v6  }
0x95: {  	vm1 =	vgt.s32 v7, $0x0  }
0x96: {  	v7 =	vnsel vm1, $0x0, v7  }
0x97: {  	v7 =	vmin.u32 v7, $0xF9F;
	_ =	sdelay $0x4  }
0x98: {  	v8 =	vld.idx.msk [tilespmem:v7+s15+$0x0], $0xffff  }
0x99: {  	v7 =	vld.idx.msk [tilespmem:v7+s13+$0x0], $0xffff;
	_ =	sdelay $0x3  }
0x9a: {  	[tilespmem:$0xE330] =	vst v8  }
0x9b: {  	[tilespmem:$0xE370] =	vst v7;
	v7 =	vsub.s32 v7, v0  }
0x9c: {  	[tilespmem:$0x113B0] =	vst v7  }
0x9d: {  	v7 =	vld [tilespmem:s0+$0xD360];
	_ =	sdelay $0x4  }
0x9e: {  	v7 =	vsub.s32 v7, v6  }
0x9f: {  	vm1 =	vgt.s32 v7, $0x0  }
0xa0: {  	v7 =	vnsel vm1, $0x0, v7  }
0xa1: {  	v7 =	vmin.u32 v7, $0xF9F;
	_ =	sdelay $0x4  }
0xa2: {  	v8 =	vld.idx.msk [tilespmem:v7+s15+$0x0], $0xffff  }
0xa3: {  	v7 =	vld.idx.msk [tilespmem:v7+s13+$0x0], $0xffff;
	_ =	sdelay $0x3  }
0xa4: {  	[tilespmem:$0xE340] =	vst v8  }
0xa5: {  	[tilespmem:$0xE380] =	vst v7;
	v7 =	vsub.s32 v7, v0  }
0xa6: {  	[tilespmem:$0x113C0] =	vst v7  }
0xa7: {  	v7 =	vld [tilespmem:s0+$0xD370];
	_ =	sdelay $0x4  }
0xa8: {  	v7 =	vsub.s32 v7, v6  }
0xa9: {  	vm1 =	vgt.s32 v7, $0x0  }
0xaa: {  	v7 =	vnsel vm1, $0x0, v7  }
0xab: {  	v7 =	vmin.u32 v7, $0xF9F;
	_ =	sdelay $0x4  }
0xac: {  	v8 =	vld.idx.msk [tilespmem:v7+s15+$0x0], $0xffff  }
0xad: {  	v7 =	vld.idx.msk [tilespmem:v7+s13+$0x0], $0xffff;
	_ =	sdelay $0x3  }
0xae: {  	[tilespmem:$0xE350] =	vst v8  }
0xaf: {  	[tilespmem:$0xE390] =	vst v7;
	v7 =	vsub.s32 v7, v0  }
0xb0: {  	s2 =	simm.s32 $0xEBA0;
	s8 =	sadd.s32 $0xD340, s0;
	[tilespmem:$0x113D0] =	vst v7  }
0xb1: {  	[tilespmem:s2], [sflag:$0x1] =	stream.indirect.gather [hbm4b:s7+s17], $0x10, s8, s17, $0xb8;
	[tilespmem:$0x113F0] =	vst v63  }
0xb2: {  	s8 =	simm.s32 $0xE3A0  }
0xb3: {  	[tilespmem:s8], [sflag:$0x1] =	stream.indirect.gather [hbm4b:s5+s17], $0x10, s18, s17, $0xb8;
	[tilespmem:$0x113F0] =	vst v63  }
0xb4: {  	s9 =	simm.s32 $0xE7A0  }
0xb5: {  	[tilespmem:s9], [sflag:$0x1] =	stream.indirect.gather [hbm4b:s6+s17], $0x10, s19, s17, $0xb8;
	[tilespmem:$0x113F0] =	vst v63  }
0xb6: {  	_ = 	snop  }
0xb7: {  	[tilespmem:s20], [sflag:$0x1] =	stream.indirect.gather [hbm4b:s1+s17], $0x80, s18, s17, $0xb8;
	[tilespmem:$0x113F0] =	vst v63  }
0xb8: {  	_ =	swait.ge [sflag:s16], $0x400  }
0xb9: {  	[sflag:s16] =	ssyncset.done $0x0  }
0xba: {  	[sflag:s16] =	ssyncadd.s32 $0xFFFFFC00  }
0xbb: {  	_ =	swait.ge [sflag:s16], $0x400  }
0xbc: {  	[sflag:s16] =	ssyncset.done $0x0  }
0xbd: {  	s0 =	ssub.s32 s26, s0;
	[sflag:s16] =	ssyncadd.s32 $0xFFFFFC00  }
0xbe: {  	p1 =	slt.s32 s0, $0x1;
	_ =	swait.ge [sflag:s16], $0x400  }
.Ltmp10:
0xbf: {  	[sflag:s16] =	ssyncset.done $0x0;
	(pc) =	sbr.rel @p1 .LBB2_14-.Ltmp10, $4  }
0xc0: {  	[sflag:s16] =	ssyncadd.s32 $0xFFFFFC00  }
0xc1: {  	_ =	swait.ge [sflag:s16], $0x2000  }
0xc2: {  	[sflag:s16] =	ssyncset.done $0x0  }
0xc3: {  	[sflag:s16] =	ssyncadd.s32 $0xFFFFE000  }
0xc4: {  	v7 =	vld [tilespmem:s8+$0x0]  }
0xc5: {  	v8 =	vld [tilespmem:s9+$0x0];
	_ =	sdelay $0x1  }
0xc6: {  	v9 =	vld [tilespmem:s2+$0x0];
	_ =	sdelay $0x2  }
0xc7: {  	v7 =	vadd.f32 v8, v7;
	_ =	sdelay $0x1  }
0xc8: {  	v7 =	vadd.f32 v9, v7;
	_ =	sdelay $0x1  }
0xc9: {  	v8 =	vmul.f32 $2.000000030e-01, v7  }
0xca: {  	vm1 =	vgt.f32 v7, $0.0e+00  }
0xcb: {  	v7 =	vsel vm1, v7, v8  }
0xcc: {  	v7 =	vmul.f32 $1.442695020e+00, v7;
	_ =	sdelay $0x1  }
0xcd: {  	(erf) = vpow2.f32 v7;
	_ =	sdelay $0x8  }
0xce: {  	v7 =	vpop (erf)  }
0xcf: {  	s0 =	simm.s32 $0x10FA0;
	v7 =	vnsel vm0, $0x0, v7  }
0xd0: {  	s22 =	simm.s32 $0x113A0;
	[tilespmem:s0+$0x0] =	vst v7  }
0xd1: {  	v8 =	vld [tilespmem:s22+$0x0];
	_ =	sdelay $0x4  }
0xd2: {  	(v2sf) =	vpush v8, $0x0;
	_ =	sdelay $0xe  }
0xd3: {  	s10 =	spop (v2sf)  }
0xd4: {  	s11 =	sshll.u32 s10, $0x6  }
0xd5: {  	v8 =	vmov s29;
	s8 =	sshra.s32 s11, $0x2  }
0xd6: {  	v8 =	vshrl.u32 v8, $0x3;
	v52 =	vld [tilespmem:s8+$0xA000]  }
0xd7: {  	v8 =	vshll.u32 v8, v5  }
0xd8: {  	v10 =	vbroadcast v8, $0x0;
	_ =	sdelay $0x2  }
0xd9: {  	v7 =	vadd.f32 v7, v52;
	_ =	sdelay $0x1  }
0xda: {  	[tilespmem:s8+$0xA000] =	vst v7  }
0xdb: {  	s12 =	simm.s32 $0xEFE0;
	v7 =	vld.idx.msk [tilespmem:v10+s21+$0x0], $0xffff  }
0xdc: {  	s2 =	sshll.u32 s10, $0x9;
	v53 =	vld [tilespmem:s12+$0xFFFFFFC0]  }
0xdd: {  	s23 =	sshra.s32 s2, $0x2  }
0xde: {  	v11 =	vld [tilespmem:s23+$0x0];
	_ =	sdelay $0x2  }
0xdf: {  	v7 =	vmul.f32 v53, v7;
	_ =	sdelay $0x1  }
0xe0: {  	v7 =	vadd.f32 v7, v11;
	_ =	sdelay $0x1  }
0xe1: {  	[tilespmem:s23+$0x0] =	vst v7  }
0xe2: {  	v7 =	vld.idx.msk [tilespmem:v10+s21+$0x0], $0xffff  }
0xe3: {  	v56 =	vld [tilespmem:s12+$0xFFFFFFD0];
	_ =	sdelay $0x1  }
0xe4: {  	v12 =	vld [tilespmem:s23+$0x10]  }
0xe5: {  	v16 =	vadd.s32 $0x1, v8  }
0xe6: {  	v16 =	vbroadcast v16, $0x0  }
0xe7: {  	v7 =	vmul.f32 v56, v7;
	_ =	sdelay $0x1  }
0xe8: {  	v7 =	vadd.f32 v7, v12;
	_ =	sdelay $0x1  }
0xe9: {  	[tilespmem:s23+$0x10] =	vst v7  }
0xea: {  	v7 =	vld.idx.msk [tilespmem:v16+s21+$0x0], $0xffff  }
0xeb: {  	v58 =	vld [tilespmem:s12+$0xFFFFFFE0];
	_ =	sdelay $0x1  }
0xec: {  	v13 =	vld [tilespmem:s23+$0x20];
	_ =	sdelay $0x2  }
0xed: {  	v7 =	vmul.f32 v58, v7;
	_ =	sdelay $0x1  }
0xee: {  	v7 =	vadd.f32 v7, v13;
	_ =	sdelay $0x1  }
0xef: {  	[tilespmem:s23+$0x20] =	vst v7  }
0xf0: {  	v7 =	vld.idx.msk [tilespmem:v16+s21+$0x0], $0xffff  }
0xf1: {  	v59 =	vld [tilespmem:s12+$0xFFFFFFF0];
	_ =	sdelay $0x1  }
0xf2: {  	v54 =	vld [tilespmem:s23+$0x30]  }
0xf3: {  	v60 =	vadd.s32 $0x2, v8  }
0xf4: {  	v13 =	vbroadcast v60, $0x0  }
0xf5: {  	v7 =	vmul.f32 v59, v7;
	_ =	sdelay $0x1  }
0xf6: {  	v7 =	vadd.f32 v7, v54;
	_ =	sdelay $0x1  }
0xf7: {  	[tilespmem:s23+$0x30] =	vst v7  }
0xf8: {  	v7 =	vld.idx.msk [tilespmem:v13+s21+$0x0], $0xffff  }
0xf9: {  	v61 =	vld [tilespmem:s12+$0x0];
	_ =	sdelay $0x1  }
0xfa: {  	v14 =	vld [tilespmem:s23+$0x40];
	_ =	sdelay $0x2  }
0xfb: {  	v7 =	vmul.f32 v61, v7;
	_ =	sdelay $0x1  }
0xfc: {  	v7 =	vadd.f32 v7, v14;
	_ =	sdelay $0x1  }
0xfd: {  	[tilespmem:s23+$0x40] =	vst v7  }
0xfe: {  	v7 =	vld.idx.msk [tilespmem:v13+s21+$0x0], $0xffff  }
0xff: {  	v62 =	vld [tilespmem:s12+$0x10];
	_ =	sdelay $0x1  }
0x100: {  	v55 =	vld [tilespmem:s23+$0x50]  }
0x101: {  	v8 =	vadd.s32 $0x3, v8  }
0x102: {  	v8 =	vbroadcast v8, $0x0  }
0x103: {  	v7 =	vmul.f32 v62, v7;
	_ =	sdelay $0x1  }
0x104: {  	v7 =	vadd.f32 v7, v55;
	_ =	sdelay $0x1  }
0x105: {  	[tilespmem:s23+$0x50] =	vst v7  }
0x106: {  	v7 =	vld.idx.msk [tilespmem:v8+s21+$0x0], $0xffff  }
0x107: {  	v63 =	vld [tilespmem:s12+$0x20];
	_ =	sdelay $0x1  }
0x108: {  	v15 =	vld [tilespmem:s23+$0x60];
	_ =	sdelay $0x2  }
0x109: {  	v7 =	vmul.f32 v63, v7;
	_ =	sdelay $0x1  }
0x10a: {  	v7 =	vadd.f32 v7, v15;
	_ =	sdelay $0x1  }
0x10b: {  	[tilespmem:s23+$0x60] =	vst v7  }
0x10c: {  	p1 =	sgt.s32 s30, $0x1;
	s2 =	smov.u32 s30;
	v7 =	vld.idx.msk [tilespmem:v8+s21+$0x0], $0xffff  }
0x10d: {  	s2 =	simm.s32 @!p1 $0x1;
	v8 =	vld [tilespmem:s12+$0x30]  }
0x10e: {  	s2 =	smin.u32 s2, $0x40  }
0x10f: {  	s2 =	sshll.u32 s2, $0x4;
	v57 =	vld [tilespmem:s23+$0x70]  }
0x110: {  	p1 =	sne.s32 s2, $0x10  }
.Ltmp11:
0x111: {  	_ = 	snop;
	(pc) =	sbr.rel @!p1 .LBB2_13-.Ltmp11, $3  }
0x112: {  	v7 =	vmul.f32 v8, v7;
	_ =	sdelay $0x1  }
0x113: {  	s9 =	simm.s32 $0xF060;
	s10 =	simm.s32 $0xE3B0;
	v7 =	vadd.f32 v7, v57  }
0x114: {  	s11 =	simm.s32 $0xE7B0;
	s8 =	simm.s32 $0x10;
	s12 =	simm.s32 $0xEBB0  }
.LBB2_12:
0x115: {  	s22 =	sadd.s32 $0x1, s22  }
0x116: {  	[tilespmem:s23+$0x70] =	vst v7;
	s0 =	sadd.s32 $0x10, s0;
	s23 =	smov.u32 s8;
	s8 =	sadd.s32 $0x10, s8  }
0x117: {  	v7 =	vld [tilespmem:s10+$0x0];
	p1 =	sne.s32 s2, s8  }
0x118: {  	v8 =	vld [tilespmem:s11+$0x0];
	_ =	sdelay $0x1  }
0x119: {  	v9 =	vld [tilespmem:s12+$0x0];
	_ =	sdelay $0x2  }
0x11a: {  	v7 =	vadd.f32 v8, v7;
	_ =	sdelay $0x1  }
0x11b: {  	v7 =	vadd.f32 v9, v7;
	_ =	sdelay $0x1  }
0x11c: {  	v8 =	vmul.f32 $2.000000030e-01, v7  }
0x11d: {  	vm1 =	vgt.f32 v7, $0.0e+00  }
0x11e: {  	v7 =	vsel vm1, v7, v8  }
0x11f: {  	v7 =	vmul.f32 $1.442695020e+00, v7;
	_ =	sdelay $0x1  }
0x120: {  	(erf) = vpow2.f32 v7;
	_ =	sdelay $0x8  }
0x121: {  	v7 =	vpop (erf)  }
0x122: {  	v7 =	vnsel vm0, $0x0, v7  }
0x123: {  	[tilespmem:s0+$0x0] =	vst v7  }
0x124: {  	v8 =	vld [tilespmem:s22+$0x0];
	_ =	sdelay $0x4  }
0x125: {  	(v2sf) =	vpush v8, $0x0;
	_ =	sdelay $0xe  }
0x126: {  	s3 =	spop (v2sf)  }
0x127: {  	s4 =	sshll.u32 s3, $0x6;
	s3 =	sshll.u32 s3, $0x9  }
0x128: {  	v8 =	vmov s23;
	s4 =	sshra.s32 s4, $0x2  }
0x129: {  	v8 =	vshrl.u32 v8, $0x3;
	v9 =	vld [tilespmem:s4+$0xA000]  }
0x12a: {  	v8 =	vshll.u32 v8, v5  }
0x12b: {  	v10 =	vbroadcast v8, $0x0;
	v11 =	vadd.s32 $0x2, v8;
	v12 =	vadd.s32 $0x3, v8  }
0x12c: {  	v8 =	vadd.s32 $0x1, v8;
	_ =	sdelay $0x1  }
0x12d: {  	v7 =	vadd.f32 v7, v9;
	_ =	sdelay $0x1  }
0x12e: {  	[tilespmem:s4+$0xA000] =	vst v7  }
0x12f: {  	v7 =	vld.idx.msk [tilespmem:v10+s21+$0x0], $0xffff  }
0x130: {  	v9 =	vld [tilespmem:s9+$0xFFFFFFC0]  }
0x131: {  	s23 =	sshra.s32 s3, $0x2  }
0x132: {  	v13 =	vld [tilespmem:s23+$0x0]  }
0x133: {  	v14 =	vld [tilespmem:s23+$0x10]  }
0x134: {  	v15 =	vld [tilespmem:s23+$0x20]  }
0x135: {  	v7 =	vmul.f32 v9, v7;
	v9 =	vld [tilespmem:s23+$0x30]  }
0x136: {  	v16 =	vld [tilespmem:s23+$0x40]  }
0x137: {  	v7 =	vadd.f32 v7, v13;
	v13 =	vld [tilespmem:s23+$0x50]  }
0x138: {  	v17 =	vld [tilespmem:s23+$0x60]  }
0x139: {  	[tilespmem:s23+$0x0] =	vst v7;
	v7 =	vld [tilespmem:s23+$0x70]  }
0x13a: {  	v10 =	vld.idx.msk [tilespmem:v10+s21+$0x0], $0xffff  }
0x13b: {  	v18 =	vld [tilespmem:s9+$0xFFFFFFD0];
	_ =	sdelay $0x3  }
0x13c: {  	v8 =	vbroadcast v8, $0x0  }
0x13d: {  	v10 =	vmul.f32 v18, v10;
	_ =	sdelay $0x1  }
0x13e: {  	v10 =	vadd.f32 v10, v14;
	_ =	sdelay $0x1  }
0x13f: {  	[tilespmem:s23+$0x10] =	vst v10  }
0x140: {  	v10 =	vld.idx.msk [tilespmem:v8+s21+$0x0], $0xffff  }
0x141: {  	v14 =	vld [tilespmem:s9+$0xFFFFFFE0];
	_ =	sdelay $0x4  }
0x142: {  	v10 =	vmul.f32 v14, v10;
	_ =	sdelay $0x1  }
0x143: {  	v10 =	vadd.f32 v10, v15;
	_ =	sdelay $0x1  }
0x144: {  	[tilespmem:s23+$0x20] =	vst v10  }
0x145: {  	v8 =	vld.idx.msk [tilespmem:v8+s21+$0x0], $0xffff  }
0x146: {  	v10 =	vld [tilespmem:s9+$0xFFFFFFF0];
	_ =	sdelay $0x3  }
0x147: {  	v11 =	vbroadcast v11, $0x0  }
0x148: {  	v8 =	vmul.f32 v10, v8;
	_ =	sdelay $0x1  }
0x149: {  	v8 =	vadd.f32 v8, v9;
	_ =	sdelay $0x1  }
0x14a: {  	[tilespmem:s23+$0x30] =	vst v8  }
0x14b: {  	v8 =	vld.idx.msk [tilespmem:v11+s21+$0x0], $0xffff  }
0x14c: {  	v9 =	vld [tilespmem:s9+$0x0];
	_ =	sdelay $0x4  }
0x14d: {  	v8 =	vmul.f32 v9, v8;
	_ =	sdelay $0x1  }
0x14e: {  	v8 =	vadd.f32 v8, v16;
	_ =	sdelay $0x1  }
0x14f: {  	[tilespmem:s23+$0x40] =	vst v8  }
0x150: {  	v8 =	vld.idx.msk [tilespmem:v11+s21+$0x0], $0xffff  }
0x151: {  	v9 =	vld [tilespmem:s9+$0x10];
	_ =	sdelay $0x3  }
0x152: {  	v10 =	vbroadcast v12, $0x0  }
0x153: {  	v8 =	vmul.f32 v9, v8;
	_ =	sdelay $0x1  }
0x154: {  	v8 =	vadd.f32 v8, v13;
	_ =	sdelay $0x1  }
0x155: {  	[tilespmem:s23+$0x50] =	vst v8  }
0x156: {  	v8 =	vld.idx.msk [tilespmem:v10+s21+$0x0], $0xffff  }
0x157: {  	v9 =	vld [tilespmem:s9+$0x20];
	_ =	sdelay $0x4  }
0x158: {  	v8 =	vmul.f32 v9, v8;
	_ =	sdelay $0x1  }
0x159: {  	v8 =	vadd.f32 v8, v17;
	_ =	sdelay $0x1  }
0x15a: {  	[tilespmem:s23+$0x60] =	vst v8  }
0x15b: {  	v8 =	vld.idx.msk [tilespmem:v10+s21+$0x0], $0xffff  }
0x15c: {  	v9 =	vld [tilespmem:s9+$0x30];
	_ =	sdelay $0x3  }
.Ltmp12:
0x15d: {  	(pc) =	sbr.rel @p1 .LBB2_12-.Ltmp12, $3  }
0x15e: {  	v8 =	vmul.f32 v9, v8;
	_ =	sdelay $0x1  }
0x15f: {  	s9 =	sadd.s32 $0x80, s9;
	v7 =	vadd.f32 v8, v7  }
0x160: {  	s10 =	sadd.s32 $0x10, s10;
	s11 =	sadd.s32 $0x10, s11;
	s12 =	sadd.s32 $0x10, s12  }
.Ltmp13:
0x161: {  	_ = 	snop;
	(pc) =	sbr.rel .LBB2_13-.Ltmp13, $1  }
0x162: {  	_ =	sdelay $0x3  }
.LBB2_17:
0x163: {  	_ =	sfence.sel $0x180000  }
0x164: {  	[bflag:$0x0] =	sbarrier.arrive $0xFFFF  }
0x165: {  	_ =	strace $0x90000047  }
0x166: {  	[bflag:$0x2] =	sbarrier.arrive $0xFFFF  }
0x167: {  	s0 =	rddreg [dreg:$0x2]  }
0x168: {  	s0 =	sadd.s32 @!p0 $0x100000, s0  }
0x169: {  	[sflag:s0] =	ssyncadd.tile.s32 @!p0 $0x1;
	_ =	shalt  }
.Lfunc_end2:
_tile_overlayer_lowered:
.L_overlay_start_2:
0x16a: {  	(tag) =	ssettag $0x2  }
0x16b: {  	s0 =	rddreg [dreg:$0x0];
	s2 =	stileid.u32  }
0x16c: {  	s1 =	rddreg [dreg:$0x1];
	p0 =	sne.s32 s2, $0x0  }
0x16d: {  	s3 =	rddreg [dreg:$0x2];
	[bflag:$0x3] =	sbarrier.arrive $0xFFFF;
	s2 =	simm.s32 @!p0 $0x1C02  }
0x16e: {  	[timem:s3], [sflag:s2] =	dma.local @!p0 [hbm:s0], s1  }
0x16f: {  	s0 =	simm.s32 @!p0 $0x2  }
0x170: {  	_ =	swait.ge @!p0 [sflag:s0], s1  }
0x171: {  	s1 =	ssub.s32 @!p0 $0x0, s1;
	[sflag:s0] =	ssyncset.done @!p0 $0x0  }
0x172: {  	[sflag:s0] =	ssyncadd.s32 @!p0 s1  }
0x173: {  	[bflag:$0x3] =	sbarrier.arrive $0xFFFF  }
0x174: {  	_ =	shalt  }

</sc_bundles>
